<compile_context>
chip_gen: v7x
topology: tpu7x:2x2x1
jax: 0.10.2.dev20260603
libtpu: 0.0.44.dev20260713+nightly
codegen_flags: <defaults>
</compile_context>

<pallas_src>
import functools

import jax
import jax.numpy as jnp
from jax import lax
from jax.experimental import pallas as pl
from jax.experimental.pallas import tpu as pltpu
from jax.experimental.pallas import tpu_sc as plsc

_EPS = 1e-12
_BR = 2048
_C = 32
_NBUF = 3
_CHUNKS = (4096, 4096)


@functools.lru_cache(maxsize=None)
def _make_sc_gather(V, D, B, off):
    info = plsc.get_sparse_core_info()
    NC, NS = info.num_cores, info.num_subcores
    NW = NC * NS
    assert B % (8 * NW) == 0
    b_per_w = B // NW
    C, NBUF = _C, _NBUF
    assert b_per_w % C == 0
    NCH = b_per_w // C
    assert NCH >= NBUF
    mesh = plsc.VectorSubcoreMesh(core_axis_name="c", subcore_axis_name="s")

    @functools.partial(
        pl.kernel,
        mesh=mesh,
        out_type=jax.ShapeDtypeStruct((B, D), jnp.float32),
        scratch_types=[pltpu.VMEM((NCH, C), jnp.int32)]
        + [pltpu.VMEM((C, D), jnp.float32) for _ in range(NBUF)]
        + [pltpu.SemaphoreType.DMA for _ in range(2 * NBUF)],
    )
    def gather_k(table_hbm, idx_hbm, out_hbm, idx_v, *rest):
        bufs = rest[:NBUF]
        gs = rest[NBUF:2 * NBUF]
        os = rest[2 * NBUF:]
        wid = lax.axis_index("s") * NC + lax.axis_index("c")
        base = wid * b_per_w
        for c in range(NCH):
            pltpu.sync_copy(idx_hbm.at[pl.ds(off + base + c * C, C)],
                            idx_v.at[c])
        g = [None] * NCH
        o = [None] * NCH
        for c in range(NBUF - 1):
            g[c] = pltpu.async_copy(
                table_hbm.at[idx_v.at[c]], bufs[c % NBUF], gs[c % NBUF])
        for c in range(NCH):
            nxt = c + NBUF - 1
            if nxt < NCH:
                if c >= 1:
                    o[c - 1].wait()
                g[nxt] = pltpu.async_copy(
                    table_hbm.at[idx_v.at[nxt]], bufs[nxt % NBUF],
                    gs[nxt % NBUF])
            g[c].wait()
            o[c] = pltpu.async_copy(
                bufs[c % NBUF], out_hbm.at[pl.ds(base + c * C, C)],
                os[c % NBUF])
        for c in range(NCH - NBUF, NCH):
            o[c].wait()

    return gather_k


def _ln_core(x_ref, tt_ref, tp_ref, g_ref, b_ref, o_ref):
    x = x_ref[...]
    t0 = tp_ref[0:1, :]
    t1 = tp_ref[1:2, :]
    f = tt_ref[...]
    x = x + t0 + f * (t1 - t0)
    d = x.shape[-1]
    s1 = jnp.sum(x, axis=-1, keepdims=True)
    s2 = jnp.sum(x * x, axis=-1, keepdims=True)
    mean = s1 * (1.0 / d)
    var = s2 * (1.0 / d) - mean * mean
    k = lax.rsqrt(var + _EPS)
    scale = k * g_ref[...]
    shift = b_ref[...] - mean * scale
    o_ref[...] = x * scale + shift


def _ln_body_alias(buf_ref, x_ref, tt_ref, tp_ref, g_ref, b_ref, o_ref):
    del buf_ref
    _ln_core(x_ref, tt_ref, tp_ref, g_ref, b_ref, o_ref)


@functools.lru_cache(maxsize=None)
def _make_tc_ln(B_total, B_chunk, D, block_off, aliased):
    assert B_chunk % _BR == 0
    grid = (B_chunk // _BR,)
    data_specs = [
        pl.BlockSpec((_BR, D), lambda i: (i, 0)),
        pl.BlockSpec((_BR, 1), lambda i: (block_off + i, 0)),
        pl.BlockSpec((2, D), lambda i: (0, 0)),
        pl.BlockSpec((1, D), lambda i: (0, 0)),
        pl.BlockSpec((1, D), lambda i: (0, 0)),
    ]
    if aliased:
        in_specs = [pl.BlockSpec(memory_space=pl.ANY)] + data_specs
        body = _ln_body_alias
        aliases = {0: 0}
    else:
        in_specs = data_specs
        body = _ln_core
        aliases = {}
    return pl.pallas_call(
        body,
        grid=grid,
        in_specs=in_specs,
        out_specs=pl.BlockSpec((_BR, D), lambda i: (block_off + i, 0)),
        out_shape=jax.ShapeDtypeStruct((B_total, D), jnp.float32),
        input_output_aliases=aliases,
    )


def kernel(input_ids, token_type_ids, word_table, type_table, gamma, beta):
    NB, S = input_ids.shape
    V, D = word_table.shape
    Bt = NB * S
    assert sum(_CHUNKS) == Bt
    gamma2 = gamma.reshape(1, -1)
    beta2 = beta.reshape(1, -1)
    ids = input_ids.reshape(-1).astype(jnp.int32)
    ttf = token_type_ids.reshape(-1, 1).astype(jnp.float32)

    offs = [sum(_CHUNKS[:b]) for b in range(len(_CHUNKS))]
    gathered = [
        _make_sc_gather(V, D, Bc, off)(word_table, ids)
        for Bc, off in zip(_CHUNKS, offs)
    ]

    out = None
    for b, (Bc, off) in enumerate(zip(_CHUNKS, offs)):
        ln = _make_tc_ln(Bt, Bc, D, off // _BR, b > 0)
        if b == 0:
            out = ln(gathered[b], ttf, type_table, gamma2, beta2)
        else:
            out = ln(out, gathered[b], ttf, type_table, gamma2, beta2)
    return out.reshape(NB, S, D)

# --- scband reference (transcript-rebuilt; emitter-appended) ---
"""Pipeline reference for scband-unpositioned-embeddings-88210038325542 (READ-ONLY COPY).

The authoritative reference and input builder live on the scoring server;
editing this copy changes nothing except your own understanding.
"""

import jax, jax.numpy as jnp
import numpy as np

VOCAB = 100000
HIDDEN = 1024
TYPES = 2
EPS = 1e-12
B, S = 4, 2048

def setup_inputs(seed: int = 0) -> dict:
    key = jax.random.key(seed)
    k1, k2, k3, k4 = jax.random.split(key, 4)
    input_ids = jax.random.randint(k1, (B, S), 0, VOCAB)
    token_type_ids = jax.random.randint(k2, (B, S), 0, TYPES)
    word_table = jax.random.normal(k3, (VOCAB, HIDDEN), dtype=jnp.float32) * 0.02
    # padding_idx=0: row is zeroed as in nn.Embedding(padding_idx=0)
    word_table = word_table.at[0].set(0.0)
    type_table = jax.random.normal(k4, (TYPES, HIDDEN), dtype=jnp.float32) * 0.02
    gamma = jnp.ones((HIDDEN,), jnp.float32)
    beta = jnp.zeros((HIDDEN,), jnp.float32)
    return {"input_ids": input_ids, "token_type_ids": token_type_ids,
            "word_table": word_table, "type_table": type_table,
            "gamma": gamma, "beta": beta}

def reference(input_ids, token_type_ids, word_table, type_table, gamma, beta):
    # word embedding lookup (inputs_embeds is None path, no cpu-forcing)
    inputs_embeds = jnp.take(word_table, input_ids, axis=0)
    # token type embedding lookup
    token_type_embeddings = jnp.take(type_table, token_type_ids, axis=0)
    embeddings = inputs_embeds + token_type_embeddings
    # LayerNorm(eps=1e-12)
    mean = jnp.mean(embeddings, axis=-1, keepdims=True)
    var = jnp.var(embeddings, axis=-1, keepdims=True)
    embeddings = (embeddings - mean) / jnp.sqrt(var + EPS) * gamma + beta
    # dropout is identity in eval mode; external/concatenative/additive lists are empty
    return embeddings

if __name__ == "__main__":
    import jax
    _d = setup_inputs()
    print(jax.jit(kernel)(*tuple(_d.values())))

</pallas_src>

<mosaic_0001>
#map = affine_map<(d0, d1) -> (0, 0)>
#map1 = affine_map<(d0, d1) -> (0)>
module attributes {stable_mosaic.version = 14 : i64} {
  func.func @gather_k(%arg0: i32, %arg1: i32, %arg2: memref<100000x1024xf32, #tpu.memory_space<hbm>>, %arg3: memref<8192xi32, #tpu.memory_space<hbm>>, %arg4: memref<4096x1024xf32, #tpu.memory_space<hbm>>, %arg5: memref<4x32xi32, #tpu.memory_space<vmem>>, %arg6: memref<32x1024xf32, #tpu.memory_space<vmem>>, %arg7: memref<32x1024xf32, #tpu.memory_space<vmem>>, %arg8: memref<32x1024xf32, #tpu.memory_space<vmem>>, %arg9: memref<!tpu.dma_semaphore, #tpu.memory_space<semaphore_mem>>, %arg10: memref<!tpu.dma_semaphore, #tpu.memory_space<semaphore_mem>>, %arg11: memref<!tpu.dma_semaphore, #tpu.memory_space<semaphore_mem>>, %arg12: memref<!tpu.dma_semaphore, #tpu.memory_space<semaphore_mem>>, %arg13: memref<!tpu.dma_semaphore, #tpu.memory_space<semaphore_mem>>, %arg14: memref<!tpu.dma_semaphore, #tpu.memory_space<semaphore_mem>>) attributes {dimension_semantics = [#tpu.dimension_semantics<core_parallel>, #tpu.dimension_semantics<subcore_parallel>], iteration_bounds = array<i64: 2, 16>, scalar_prefetch = 0 : i64, scratch_operands = 10 : i64, tpu.core_type = #tpu.core_type<sc_vector_subcore>, window_params = [{transform_indices = #map}, {transform_indices = #map1}, {transform_indices = #map}]} {
    %mul3A = arith.constant 2 : i32
    %mul3A_0 = arith.muli %arg1, %mul3A : i32
    %add3A = arith.addi %mul3A_0, %arg0 : i32
    %mul3A_1 = arith.constant 128 : i32
    %mul3A_2 = arith.muli %add3A, %mul3A_1 : i32
    %add3A_3 = arith.constant 4096 : i32
    %add3A_4 = arith.addi %add3A_3, %mul3A_2 : i32
    %add3A_5 = arith.constant 0 : i32
    %add3A_6 = arith.addi %add3A_4, %add3A_5 : i32
    %run_scoped3A = arith.constant 0 : i32
    "tpu.region"() ({
      %run_scoped3A_116 = tpu.sem_alloc : memref<!tpu.dma_semaphore, #tpu.memory_space<semaphore_mem>>
      %dma_start3A_117 = arith.constant 0 : i32
      %dma_start3A_118 = tpu.memref_slice %arg5[%run_scoped3A, %dma_start3A_117] : memref<4x32xi32, #tpu.memory_space<vmem>> -> memref<1x32xi32, #tpu.memory_space<vmem>>
      %dma_start3A_119 = tpu.memref_squeeze %dma_start3A_118 : memref<1x32xi32, #tpu.memory_space<vmem>> -> memref<32xi32, #tpu.memory_space<vmem>>
      %dma_start3A_120 = tpu.memref_slice %arg3[%add3A_6] : memref<8192xi32, #tpu.memory_space<hbm>> -> memref<32xi32, #tpu.memory_space<hbm>>
      %dma_start3A_121 = arith.constant 0 : i32
      %dma_start3A_122 = tpu.memref_slice %arg5[%run_scoped3A, %dma_start3A_121] : memref<4x32xi32, #tpu.memory_space<vmem>> -> memref<1x32xi32, #tpu.memory_space<vmem>>
      %dma_start3A_123 = tpu.memref_squeeze %dma_start3A_122 : memref<1x32xi32, #tpu.memory_space<vmem>> -> memref<32xi32, #tpu.memory_space<vmem>>
      %dma_start3A_124 = tpu.memref_slice %arg3[%add3A_6] : memref<8192xi32, #tpu.memory_space<hbm>> -> memref<32xi32, #tpu.memory_space<hbm>>
      tpu.enqueue_dma source(%dma_start3A_124 : memref<32xi32, #tpu.memory_space<hbm>>) target(%dma_start3A_123 : memref<32xi32, #tpu.memory_space<vmem>>) target_semaphore(%run_scoped3A_116 : memref<!tpu.dma_semaphore, #tpu.memory_space<semaphore_mem>>)
      %dma_wait3A_125 = arith.constant 0 : i32
      %dma_wait3A_126 = tpu.memref_slice %arg5[%run_scoped3A, %dma_wait3A_125] : memref<4x32xi32, #tpu.memory_space<vmem>> -> memref<1x32xi32, #tpu.memory_space<vmem>>
      %dma_wait3A_127 = tpu.memref_squeeze %dma_wait3A_126 : memref<1x32xi32, #tpu.memory_space<vmem>> -> memref<32xi32, #tpu.memory_space<vmem>>
      %dma_wait3A_128 = tpu.memref_slice %arg3[%add3A_6] : memref<8192xi32, #tpu.memory_space<hbm>> -> memref<32xi32, #tpu.memory_space<hbm>>
      %dma_wait3A_129 = arith.constant 0 : i32
      %dma_wait3A_130 = tpu.memref_slice %arg5[%run_scoped3A, %dma_wait3A_129] : memref<4x32xi32, #tpu.memory_space<vmem>> -> memref<1x32xi32, #tpu.memory_space<vmem>>
      %dma_wait3A_131 = tpu.memref_squeeze %dma_wait3A_130 : memref<1x32xi32, #tpu.memory_space<vmem>> -> memref<32xi32, #tpu.memory_space<vmem>>
      %dma_wait3A_132 = tpu.memref_slice %arg3[%add3A_6] : memref<8192xi32, #tpu.memory_space<hbm>> -> memref<32xi32, #tpu.memory_space<hbm>>
      tpu.wait_dma2 semaphore(%run_scoped3A_116 : memref<!tpu.dma_semaphore, #tpu.memory_space<semaphore_mem>>) src(%dma_wait3A_132 : memref<32xi32, #tpu.memory_space<hbm>>) dst(%dma_wait3A_131 : memref<32xi32, #tpu.memory_space<vmem>>)
      tpu.yield
    }) : () -> ()
    %add3A_7 = arith.constant 4096 : i32
    %add3A_8 = arith.addi %add3A_7, %mul3A_2 : i32
    %add3A_9 = arith.constant 32 : i32
    %add3A_10 = arith.addi %add3A_8, %add3A_9 : i32
    %run_scoped3A_11 = arith.constant 1 : i32
    "tpu.region"() ({
      %run_scoped3A_116 = tpu.sem_alloc : memref<!tpu.dma_semaphore, #tpu.memory_space<semaphore_mem>>
      %dma_start3A_117 = arith.constant 0 : i32
      %dma_start3A_118 = tpu.memref_slice %arg5[%run_scoped3A_11, %dma_start3A_117] : memref<4x32xi32, #tpu.memory_space<vmem>> -> memref<1x32xi32, #tpu.memory_space<vmem>>
      %dma_start3A_119 = tpu.memref_squeeze %dma_start3A_118 : memref<1x32xi32, #tpu.memory_space<vmem>> -> memref<32xi32, #tpu.memory_space<vmem>>
      %dma_start3A_120 = tpu.memref_slice %arg3[%add3A_10] : memref<8192xi32, #tpu.memory_space<hbm>> -> memref<32xi32, #tpu.memory_space<hbm>>
      %dma_start3A_121 = arith.constant 0 : i32
      %dma_start3A_122 = tpu.memref_slice %arg5[%run_scoped3A_11, %dma_start3A_121] : memref<4x32xi32, #tpu.memory_space<vmem>> -> memref<1x32xi32, #tpu.memory_space<vmem>>
      %dma_start3A_123 = tpu.memref_squeeze %dma_start3A_122 : memref<1x32xi32, #tpu.memory_space<vmem>> -> memref<32xi32, #tpu.memory_space<vmem>>
      %dma_start3A_124 = tpu.memref_slice %arg3[%add3A_10] : memref<8192xi32, #tpu.memory_space<hbm>> -> memref<32xi32, #tpu.memory_space<hbm>>
      tpu.enqueue_dma source(%dma_start3A_124 : memref<32xi32, #tpu.memory_space<hbm>>) target(%dma_start3A_123 : memref<32xi32, #tpu.memory_space<vmem>>) target_semaphore(%run_scoped3A_116 : memref<!tpu.dma_semaphore, #tpu.memory_space<semaphore_mem>>)
      %dma_wait3A_125 = arith.constant 0 : i32
      %dma_wait3A_126 = tpu.memref_slice %arg5[%run_scoped3A_11, %dma_wait3A_125] : memref<4x32xi32, #tpu.memory_space<vmem>> -> memref<1x32xi32, #tpu.memory_space<vmem>>
      %dma_wait3A_127 = tpu.memref_squeeze %dma_wait3A_126 : memref<1x32xi32, #tpu.memory_space<vmem>> -> memref<32xi32, #tpu.memory_space<vmem>>
      %dma_wait3A_128 = tpu.memref_slice %arg3[%add3A_10] : memref<8192xi32, #tpu.memory_space<hbm>> -> memref<32xi32, #tpu.memory_space<hbm>>
      %dma_wait3A_129 = arith.constant 0 : i32
      %dma_wait3A_130 = tpu.memref_slice %arg5[%run_scoped3A_11, %dma_wait3A_129] : memref<4x32xi32, #tpu.memory_space<vmem>> -> memref<1x32xi32, #tpu.memory_space<vmem>>
      %dma_wait3A_131 = tpu.memref_squeeze %dma_wait3A_130 : memref<1x32xi32, #tpu.memory_space<vmem>> -> memref<32xi32, #tpu.memory_space<vmem>>
      %dma_wait3A_132 = tpu.memref_slice %arg3[%add3A_10] : memref<8192xi32, #tpu.memory_space<hbm>> -> memref<32xi32, #tpu.memory_space<hbm>>
      tpu.wait_dma2 semaphore(%run_scoped3A_116 : memref<!tpu.dma_semaphore, #tpu.memory_space<semaphore_mem>>) src(%dma_wait3A_132 : memref<32xi32, #tpu.memory_space<hbm>>) dst(%dma_wait3A_131 : memref<32xi32, #tpu.memory_space<vmem>>)
      tpu.yield
    }) : () -> ()
    %add3A_12 = arith.constant 4096 : i32
    %add3A_13 = arith.addi %add3A_12, %mul3A_2 : i32
    %add3A_14 = arith.constant 64 : i32
    %add3A_15 = arith.addi %add3A_13, %add3A_14 : i32
    %run_scoped3A_16 = arith.constant 2 : i32
    "tpu.region"() ({
      %run_scoped3A_116 = tpu.sem_alloc : memref<!tpu.dma_semaphore, #tpu.memory_space<semaphore_mem>>
      %dma_start3A_117 = arith.constant 0 : i32
      %dma_start3A_118 = tpu.memref_slice %arg5[%run_scoped3A_16, %dma_start3A_117] : memref<4x32xi32, #tpu.memory_space<vmem>> -> memref<1x32xi32, #tpu.memory_space<vmem>>
      %dma_start3A_119 = tpu.memref_squeeze %dma_start3A_118 : memref<1x32xi32, #tpu.memory_space<vmem>> -> memref<32xi32, #tpu.memory_space<vmem>>
      %dma_start3A_120 = tpu.memref_slice %arg3[%add3A_15] : memref<8192xi32, #tpu.memory_space<hbm>> -> memref<32xi32, #tpu.memory_space<hbm>>
      %dma_start3A_121 = arith.constant 0 : i32
      %dma_start3A_122 = tpu.memref_slice %arg5[%run_scoped3A_16, %dma_start3A_121] : memref<4x32xi32, #tpu.memory_space<vmem>> -> memref<1x32xi32, #tpu.memory_space<vmem>>
      %dma_start3A_123 = tpu.memref_squeeze %dma_start3A_122 : memref<1x32xi32, #tpu.memory_space<vmem>> -> memref<32xi32, #tpu.memory_space<vmem>>
      %dma_start3A_124 = tpu.memref_slice %arg3[%add3A_15] : memref<8192xi32, #tpu.memory_space<hbm>> -> memref<32xi32, #tpu.memory_space<hbm>>
      tpu.enqueue_dma source(%dma_start3A_124 : memref<32xi32, #tpu.memory_space<hbm>>) target(%dma_start3A_123 : memref<32xi32, #tpu.memory_space<vmem>>) target_semaphore(%run_scoped3A_116 : memref<!tpu.dma_semaphore, #tpu.memory_space<semaphore_mem>>)
      %dma_wait3A_125 = arith.constant 0 : i32
      %dma_wait3A_126 = tpu.memref_slice %arg5[%run_scoped3A_16, %dma_wait3A_125] : memref<4x32xi32, #tpu.memory_space<vmem>> -> memref<1x32xi32, #tpu.memory_space<vmem>>
      %dma_wait3A_127 = tpu.memref_squeeze %dma_wait3A_126 : memref<1x32xi32, #tpu.memory_space<vmem>> -> memref<32xi32, #tpu.memory_space<vmem>>
      %dma_wait3A_128 = tpu.memref_slice %arg3[%add3A_15] : memref<8192xi32, #tpu.memory_space<hbm>> -> memref<32xi32, #tpu.memory_space<hbm>>
      %dma_wait3A_129 = arith.constant 0 : i32
      %dma_wait3A_130 = tpu.memref_slice %arg5[%run_scoped3A_16, %dma_wait3A_129] : memref<4x32xi32, #tpu.memory_space<vmem>> -> memref<1x32xi32, #tpu.memory_space<vmem>>
      %dma_wait3A_131 = tpu.memref_squeeze %dma_wait3A_130 : memref<1x32xi32, #tpu.memory_space<vmem>> -> memref<32xi32, #tpu.memory_space<vmem>>
      %dma_wait3A_132 = tpu.memref_slice %arg3[%add3A_15] : memref<8192xi32, #tpu.memory_space<hbm>> -> memref<32xi32, #tpu.memory_space<hbm>>
      tpu.wait_dma2 semaphore(%run_scoped3A_116 : memref<!tpu.dma_semaphore, #tpu.memory_space<semaphore_mem>>) src(%dma_wait3A_132 : memref<32xi32, #tpu.memory_space<hbm>>) dst(%dma_wait3A_131 : memref<32xi32, #tpu.memory_space<vmem>>)
      tpu.yield
    }) : () -> ()
    %add3A_17 = arith.constant 4096 : i32
    %add3A_18 = arith.addi %add3A_17, %mul3A_2 : i32
    %add3A_19 = arith.constant 96 : i32
    %add3A_20 = arith.addi %add3A_18, %add3A_19 : i32
    %run_scoped3A_21 = arith.constant 3 : i32
    "tpu.region"() ({
      %run_scoped3A_116 = tpu.sem_alloc : memref<!tpu.dma_semaphore, #tpu.memory_space<semaphore_mem>>
      %dma_start3A_117 = arith.constant 0 : i32
      %dma_start3A_118 = tpu.memref_slice %arg5[%run_scoped3A_21, %dma_start3A_117] : memref<4x32xi32, #tpu.memory_space<vmem>> -> memref<1x32xi32, #tpu.memory_space<vmem>>
      %dma_start3A_119 = tpu.memref_squeeze %dma_start3A_118 : memref<1x32xi32, #tpu.memory_space<vmem>> -> memref<32xi32, #tpu.memory_space<vmem>>
      %dma_start3A_120 = tpu.memref_slice %arg3[%add3A_20] : memref<8192xi32, #tpu.memory_space<hbm>> -> memref<32xi32, #tpu.memory_space<hbm>>
      %dma_start3A_121 = arith.constant 0 : i32
      %dma_start3A_122 = tpu.memref_slice %arg5[%run_scoped3A_21, %dma_start3A_121] : memref<4x32xi32, #tpu.memory_space<vmem>> -> memref<1x32xi32, #tpu.memory_space<vmem>>
      %dma_start3A_123 = tpu.memref_squeeze %dma_start3A_122 : memref<1x32xi32, #tpu.memory_space<vmem>> -> memref<32xi32, #tpu.memory_space<vmem>>
      %dma_start3A_124 = tpu.memref_slice %arg3[%add3A_20] : memref<8192xi32, #tpu.memory_space<hbm>> -> memref<32xi32, #tpu.memory_space<hbm>>
      tpu.enqueue_dma source(%dma_start3A_124 : memref<32xi32, #tpu.memory_space<hbm>>) target(%dma_start3A_123 : memref<32xi32, #tpu.memory_space<vmem>>) target_semaphore(%run_scoped3A_116 : memref<!tpu.dma_semaphore, #tpu.memory_space<semaphore_mem>>)
      %dma_wait3A_125 = arith.constant 0 : i32
      %dma_wait3A_126 = tpu.memref_slice %arg5[%run_scoped3A_21, %dma_wait3A_125] : memref<4x32xi32, #tpu.memory_space<vmem>> -> memref<1x32xi32, #tpu.memory_space<vmem>>
      %dma_wait3A_127 = tpu.memref_squeeze %dma_wait3A_126 : memref<1x32xi32, #tpu.memory_space<vmem>> -> memref<32xi32, #tpu.memory_space<vmem>>
      %dma_wait3A_128 = tpu.memref_slice %arg3[%add3A_20] : memref<8192xi32, #tpu.memory_space<hbm>> -> memref<32xi32, #tpu.memory_space<hbm>>
      %dma_wait3A_129 = arith.constant 0 : i32
      %dma_wait3A_130 = tpu.memref_slice %arg5[%run_scoped3A_21, %dma_wait3A_129] : memref<4x32xi32, #tpu.memory_space<vmem>> -> memref<1x32xi32, #tpu.memory_space<vmem>>
      %dma_wait3A_131 = tpu.memref_squeeze %dma_wait3A_130 : memref<1x32xi32, #tpu.memory_space<vmem>> -> memref<32xi32, #tpu.memory_space<vmem>>
      %dma_wait3A_132 = tpu.memref_slice %arg3[%add3A_20] : memref<8192xi32, #tpu.memory_space<hbm>> -> memref<32xi32, #tpu.memory_space<hbm>>
      tpu.wait_dma2 semaphore(%run_scoped3A_116 : memref<!tpu.dma_semaphore, #tpu.memory_space<semaphore_mem>>) src(%dma_wait3A_132 : memref<32xi32, #tpu.memory_space<hbm>>) dst(%dma_wait3A_131 : memref<32xi32, #tpu.memory_space<vmem>>)
      tpu.yield
    }) : () -> ()
    %dma_start3A = arith.constant 0 : i32
    %dma_start3A_22 = arith.constant 0 : i32
    %dma_start3A_23 = tpu.memref_slice %arg5[%dma_start3A, %dma_start3A_22] : memref<4x32xi32, #tpu.memory_space<vmem>> -> memref<1x32xi32, #tpu.memory_space<vmem>>
    %dma_start3A_24 = tpu.memref_squeeze %dma_start3A_23 : memref<1x32xi32, #tpu.memory_space<vmem>> -> memref<32xi32, #tpu.memory_space<vmem>>
    %dma_start3A_25 = arith.constant 0 : i32
    %dma_start3A_26 = arith.constant 0 : i32
    %dma_start3A_27 = tpu.memref_slice %arg2[%dma_start3A_25, %dma_start3A_26] : memref<100000x1024xf32, #tpu.memory_space<hbm>> -> memref<100000x1024xf32, #tpu.memory_space<hbm>>
    tpu.enqueue_indirect_dma source(%dma_start3A_27 : memref<100000x1024xf32, #tpu.memory_space<hbm>>) target(%arg6 : memref<32x1024xf32, #tpu.memory_space<vmem>>) offsets(%dma_start3A_24 : memref<32xi32, #tpu.memory_space<vmem>>) semaphore(%arg9 : memref<!tpu.dma_semaphore, #tpu.memory_space<semaphore_mem>>)
    %dma_start3A_28 = arith.constant 1 : i32
    %dma_start3A_29 = arith.constant 0 : i32
    %dma_start3A_30 = tpu.memref_slice %arg5[%dma_start3A_28, %dma_start3A_29] : memref<4x32xi32, #tpu.memory_space<vmem>> -> memref<1x32xi32, #tpu.memory_space<vmem>>
    %dma_start3A_31 = tpu.memref_squeeze %dma_start3A_30 : memref<1x32xi32, #tpu.memory_space<vmem>> -> memref<32xi32, #tpu.memory_space<vmem>>
    %dma_start3A_32 = arith.constant 0 : i32
    %dma_start3A_33 = arith.constant 0 : i32
    %dma_start3A_34 = tpu.memref_slice %arg2[%dma_start3A_32, %dma_start3A_33] : memref<100000x1024xf32, #tpu.memory_space<hbm>> -> memref<100000x1024xf32, #tpu.memory_space<hbm>>
    tpu.enqueue_indirect_dma source(%dma_start3A_34 : memref<100000x1024xf32, #tpu.memory_space<hbm>>) target(%arg7 : memref<32x1024xf32, #tpu.memory_space<vmem>>) offsets(%dma_start3A_31 : memref<32xi32, #tpu.memory_space<vmem>>) semaphore(%arg10 : memref<!tpu.dma_semaphore, #tpu.memory_space<semaphore_mem>>)
    %dma_start3A_35 = arith.constant 2 : i32
    %dma_start3A_36 = arith.constant 0 : i32
    %dma_start3A_37 = tpu.memref_slice %arg5[%dma_start3A_35, %dma_start3A_36] : memref<4x32xi32, #tpu.memory_space<vmem>> -> memref<1x32xi32, #tpu.memory_space<vmem>>
    %dma_start3A_38 = tpu.memref_squeeze %dma_start3A_37 : memref<1x32xi32, #tpu.memory_space<vmem>> -> memref<32xi32, #tpu.memory_space<vmem>>
    %dma_start3A_39 = arith.constant 0 : i32
    %dma_start3A_40 = arith.constant 0 : i32
    %dma_start3A_41 = tpu.memref_slice %arg2[%dma_start3A_39, %dma_start3A_40] : memref<100000x1024xf32, #tpu.memory_space<hbm>> -> memref<100000x1024xf32, #tpu.memory_space<hbm>>
    tpu.enqueue_indirect_dma source(%dma_start3A_41 : memref<100000x1024xf32, #tpu.memory_space<hbm>>) target(%arg8 : memref<32x1024xf32, #tpu.memory_space<vmem>>) offsets(%dma_start3A_38 : memref<32xi32, #tpu.memory_space<vmem>>) semaphore(%arg11 : memref<!tpu.dma_semaphore, #tpu.memory_space<semaphore_mem>>)
    %dma_wait3A = arith.constant 0 : i32
    %dma_wait3A_42 = arith.constant 0 : i32
    %dma_wait3A_43 = tpu.memref_slice %arg5[%dma_wait3A, %dma_wait3A_42] : memref<4x32xi32, #tpu.memory_space<vmem>> -> memref<1x32xi32, #tpu.memory_space<vmem>>
    %dma_wait3A_44 = tpu.memref_squeeze %dma_wait3A_43 : memref<1x32xi32, #tpu.memory_space<vmem>> -> memref<32xi32, #tpu.memory_space<vmem>>
    %dma_wait3A_45 = arith.constant 0 : i32
    %dma_wait3A_46 = arith.constant 0 : i32
    %dma_wait3A_47 = tpu.memref_slice %arg2[%dma_wait3A_45, %dma_wait3A_46] : memref<100000x1024xf32, #tpu.memory_space<hbm>> -> memref<100000x1024xf32, #tpu.memory_space<hbm>>
    tpu.wait_indirect_dma semaphore(%arg9 : memref<!tpu.dma_semaphore, #tpu.memory_space<semaphore_mem>>) src(%dma_wait3A_47 : memref<100000x1024xf32, #tpu.memory_space<hbm>>) dst(%arg6 : memref<32x1024xf32, #tpu.memory_space<vmem>>)
    %add3A_48 = arith.constant 0 : i32
    %add3A_49 = arith.addi %mul3A_2, %add3A_48 : i32
    %dma_start3A_50 = arith.constant 0 : i32
    %dma_start3A_51 = tpu.memref_slice %arg4[%add3A_49, %dma_start3A_50] : memref<4096x1024xf32, #tpu.memory_space<hbm>> -> memref<32x1024xf32, #tpu.memory_space<hbm>>
    %dma_start3A_52 = arith.constant 0 : i32
    %dma_start3A_53 = tpu.memref_slice %arg4[%add3A_49, %dma_start3A_52] : memref<4096x1024xf32, #tpu.memory_space<hbm>> -> memref<32x1024xf32, #tpu.memory_space<hbm>>
    tpu.enqueue_dma source(%arg6 : memref<32x1024xf32, #tpu.memory_space<vmem>>) target(%dma_start3A_53 : memref<32x1024xf32, #tpu.memory_space<hbm>>) target_semaphore(%arg12 : memref<!tpu.dma_semaphore, #tpu.memory_space<semaphore_mem>>)
    %dma_wait3A_54 = arith.constant 0 : i32
    %dma_wait3A_55 = tpu.memref_slice %arg4[%add3A_49, %dma_wait3A_54] : memref<4096x1024xf32, #tpu.memory_space<hbm>> -> memref<32x1024xf32, #tpu.memory_space<hbm>>
    %dma_wait3A_56 = arith.constant 0 : i32
    %dma_wait3A_57 = tpu.memref_slice %arg4[%add3A_49, %dma_wait3A_56] : memref<4096x1024xf32, #tpu.memory_space<hbm>> -> memref<32x1024xf32, #tpu.memory_space<hbm>>
    tpu.wait_dma2 semaphore(%arg12 : memref<!tpu.dma_semaphore, #tpu.memory_space<semaphore_mem>>) src(%arg6 : memref<32x1024xf32, #tpu.memory_space<vmem>>) dst(%dma_wait3A_57 : memref<32x1024xf32, #tpu.memory_space<hbm>>)
    %dma_start3A_58 = arith.constant 3 : i32
    %dma_start3A_59 = arith.constant 0 : i32
    %dma_start3A_60 = tpu.memref_slice %arg5[%dma_start3A_58, %dma_start3A_59] : memref<4x32xi32, #tpu.memory_space<vmem>> -> memref<1x32xi32, #tpu.memory_space<vmem>>
    %dma_start3A_61 = tpu.memref_squeeze %dma_start3A_60 : memref<1x32xi32, #tpu.memory_space<vmem>> -> memref<32xi32, #tpu.memory_space<vmem>>
    %dma_start3A_62 = arith.constant 0 : i32
    %dma_start3A_63 = arith.constant 0 : i32
    %dma_start3A_64 = tpu.memref_slice %arg2[%dma_start3A_62, %dma_start3A_63] : memref<100000x1024xf32, #tpu.memory_space<hbm>> -> memref<100000x1024xf32, #tpu.memory_space<hbm>>
    tpu.enqueue_indirect_dma source(%dma_start3A_64 : memref<100000x1024xf32, #tpu.memory_space<hbm>>) target(%arg6 : memref<32x1024xf32, #tpu.memory_space<vmem>>) offsets(%dma_start3A_61 : memref<32xi32, #tpu.memory_space<vmem>>) semaphore(%arg9 : memref<!tpu.dma_semaphore, #tpu.memory_space<semaphore_mem>>)
    %dma_wait3A_65 = arith.constant 1 : i32
    %dma_wait3A_66 = arith.constant 0 : i32
    %dma_wait3A_67 = tpu.memref_slice %arg5[%dma_wait3A_65, %dma_wait3A_66] : memref<4x32xi32, #tpu.memory_space<vmem>> -> memref<1x32xi32, #tpu.memory_space<vmem>>
    %dma_wait3A_68 = tpu.memref_squeeze %dma_wait3A_67 : memref<1x32xi32, #tpu.memory_space<vmem>> -> memref<32xi32, #tpu.memory_space<vmem>>
    %dma_wait3A_69 = arith.constant 0 : i32
    %dma_wait3A_70 = arith.constant 0 : i32
    %dma_wait3A_71 = tpu.memref_slice %arg2[%dma_wait3A_69, %dma_wait3A_70] : memref<100000x1024xf32, #tpu.memory_space<hbm>> -> memref<100000x1024xf32, #tpu.memory_space<hbm>>
    tpu.wait_indirect_dma semaphore(%arg10 : memref<!tpu.dma_semaphore, #tpu.memory_space<semaphore_mem>>) src(%dma_wait3A_71 : memref<100000x1024xf32, #tpu.memory_space<hbm>>) dst(%arg7 : memref<32x1024xf32, #tpu.memory_space<vmem>>)
    %add3A_72 = arith.constant 32 : i32
    %add3A_73 = arith.addi %mul3A_2, %add3A_72 : i32
    %dma_start3A_74 = arith.constant 0 : i32
    %dma_start3A_75 = tpu.memref_slice %arg4[%add3A_73, %dma_start3A_74] : memref<4096x1024xf32, #tpu.memory_space<hbm>> -> memref<32x1024xf32, #tpu.memory_space<hbm>>
    %dma_start3A_76 = arith.constant 0 : i32
    %dma_start3A_77 = tpu.memref_slice %arg4[%add3A_73, %dma_start3A_76] : memref<4096x1024xf32, #tpu.memory_space<hbm>> -> memref<32x1024xf32, #tpu.memory_space<hbm>>
    tpu.enqueue_dma source(%arg7 : memref<32x1024xf32, #tpu.memory_space<vmem>>) target(%dma_start3A_77 : memref<32x1024xf32, #tpu.memory_space<hbm>>) target_semaphore(%arg13 : memref<!tpu.dma_semaphore, #tpu.memory_space<semaphore_mem>>)
    %dma_wait3A_78 = arith.constant 2 : i32
    %dma_wait3A_79 = arith.constant 0 : i32
    %dma_wait3A_80 = tpu.memref_slice %arg5[%dma_wait3A_78, %dma_wait3A_79] : memref<4x32xi32, #tpu.memory_space<vmem>> -> memref<1x32xi32, #tpu.memory_space<vmem>>
    %dma_wait3A_81 = tpu.memref_squeeze %dma_wait3A_80 : memref<1x32xi32, #tpu.memory_space<vmem>> -> memref<32xi32, #tpu.memory_space<vmem>>
    %dma_wait3A_82 = arith.constant 0 : i32
    %dma_wait3A_83 = arith.constant 0 : i32
    %dma_wait3A_84 = tpu.memref_slice %arg2[%dma_wait3A_82, %dma_wait3A_83] : memref<100000x1024xf32, #tpu.memory_space<hbm>> -> memref<100000x1024xf32, #tpu.memory_space<hbm>>
    tpu.wait_indirect_dma semaphore(%arg11 : memref<!tpu.dma_semaphore, #tpu.memory_space<semaphore_mem>>) src(%dma_wait3A_84 : memref<100000x1024xf32, #tpu.memory_space<hbm>>) dst(%arg8 : memref<32x1024xf32, #tpu.memory_space<vmem>>)
    %add3A_85 = arith.constant 64 : i32
    %add3A_86 = arith.addi %mul3A_2, %add3A_85 : i32
    %dma_start3A_87 = arith.constant 0 : i32
    %dma_start3A_88 = tpu.memref_slice %arg4[%add3A_86, %dma_start3A_87] : memref<4096x1024xf32, #tpu.memory_space<hbm>> -> memref<32x1024xf32, #tpu.memory_space<hbm>>
    %dma_start3A_89 = arith.constant 0 : i32
    %dma_start3A_90 = tpu.memref_slice %arg4[%add3A_86, %dma_start3A_89] : memref<4096x1024xf32, #tpu.memory_space<hbm>> -> memref<32x1024xf32, #tpu.memory_space<hbm>>
    tpu.enqueue_dma source(%arg8 : memref<32x1024xf32, #tpu.memory_space<vmem>>) target(%dma_start3A_90 : memref<32x1024xf32, #tpu.memory_space<hbm>>) target_semaphore(%arg14 : memref<!tpu.dma_semaphore, #tpu.memory_space<semaphore_mem>>)
    %dma_wait3A_91 = arith.constant 3 : i32
    %dma_wait3A_92 = arith.constant 0 : i32
    %dma_wait3A_93 = tpu.memref_slice %arg5[%dma_wait3A_91, %dma_wait3A_92] : memref<4x32xi32, #tpu.memory_space<vmem>> -> memref<1x32xi32, #tpu.memory_space<vmem>>
    %dma_wait3A_94 = tpu.memref_squeeze %dma_wait3A_93 : memref<1x32xi32, #tpu.memory_space<vmem>> -> memref<32xi32, #tpu.memory_space<vmem>>
    %dma_wait3A_95 = arith.constant 0 : i32
    %dma_wait3A_96 = arith.constant 0 : i32
    %dma_wait3A_97 = tpu.memref_slice %arg2[%dma_wait3A_95, %dma_wait3A_96] : memref<100000x1024xf32, #tpu.memory_space<hbm>> -> memref<100000x1024xf32, #tpu.memory_space<hbm>>
    tpu.wait_indirect_dma semaphore(%arg9 : memref<!tpu.dma_semaphore, #tpu.memory_space<semaphore_mem>>) src(%dma_wait3A_97 : memref<100000x1024xf32, #tpu.memory_space<hbm>>) dst(%arg6 : memref<32x1024xf32, #tpu.memory_space<vmem>>)
    %add3A_98 = arith.constant 96 : i32
    %add3A_99 = arith.addi %mul3A_2, %add3A_98 : i32
    %dma_start3A_100 = arith.constant 0 : i32
    %dma_start3A_101 = tpu.memref_slice %arg4[%add3A_99, %dma_start3A_100] : memref<4096x1024xf32, #tpu.memory_space<hbm>> -> memref<32x1024xf32, #tpu.memory_space<hbm>>
    %dma_start3A_102 = arith.constant 0 : i32
    %dma_start3A_103 = tpu.memref_slice %arg4[%add3A_99, %dma_start3A_102] : memref<4096x1024xf32, #tpu.memory_space<hbm>> -> memref<32x1024xf32, #tpu.memory_space<hbm>>
    tpu.enqueue_dma source(%arg6 : memref<32x1024xf32, #tpu.memory_space<vmem>>) target(%dma_start3A_103 : memref<32x1024xf32, #tpu.memory_space<hbm>>) target_semaphore(%arg12 : memref<!tpu.dma_semaphore, #tpu.memory_space<semaphore_mem>>)
    %dma_wait3A_104 = arith.constant 0 : i32
    %dma_wait3A_105 = tpu.memref_slice %arg4[%add3A_73, %dma_wait3A_104] : memref<4096x1024xf32, #tpu.memory_space<hbm>> -> memref<32x1024xf32, #tpu.memory_space<hbm>>
    %dma_wait3A_106 = arith.constant 0 : i32
    %dma_wait3A_107 = tpu.memref_slice %arg4[%add3A_73, %dma_wait3A_106] : memref<4096x1024xf32, #tpu.memory_space<hbm>> -> memref<32x1024xf32, #tpu.memory_space<hbm>>
    tpu.wait_dma2 semaphore(%arg13 : memref<!tpu.dma_semaphore, #tpu.memory_space<semaphore_mem>>) src(%arg7 : memref<32x1024xf32, #tpu.memory_space<vmem>>) dst(%dma_wait3A_107 : memref<32x1024xf32, #tpu.memory_space<hbm>>)
    %dma_wait3A_108 = arith.constant 0 : i32
    %dma_wait3A_109 = tpu.memref_slice %arg4[%add3A_86, %dma_wait3A_108] : memref<4096x1024xf32, #tpu.memory_space<hbm>> -> memref<32x1024xf32, #tpu.memory_space<hbm>>
    %dma_wait3A_110 = arith.constant 0 : i32
    %dma_wait3A_111 = tpu.memref_slice %arg4[%add3A_86, %dma_wait3A_110] : memref<4096x1024xf32, #tpu.memory_space<hbm>> -> memref<32x1024xf32, #tpu.memory_space<hbm>>
    tpu.wait_dma2 semaphore(%arg14 : memref<!tpu.dma_semaphore, #tpu.memory_space<semaphore_mem>>) src(%arg8 : memref<32x1024xf32, #tpu.memory_space<vmem>>) dst(%dma_wait3A_111 : memref<32x1024xf32, #tpu.memory_space<hbm>>)
    %dma_wait3A_112 = arith.constant 0 : i32
    %dma_wait3A_113 = tpu.memref_slice %arg4[%add3A_99, %dma_wait3A_112] : memref<4096x1024xf32, #tpu.memory_space<hbm>> -> memref<32x1024xf32, #tpu.memory_space<hbm>>
    %dma_wait3A_114 = arith.constant 0 : i32
    %dma_wait3A_115 = tpu.memref_slice %arg4[%add3A_99, %dma_wait3A_114] : memref<4096x1024xf32, #tpu.memory_space<hbm>> -> memref<32x1024xf32, #tpu.memory_space<hbm>>
    tpu.wait_dma2 semaphore(%arg12 : memref<!tpu.dma_semaphore, #tpu.memory_space<semaphore_mem>>) src(%arg6 : memref<32x1024xf32, #tpu.memory_space<vmem>>) dst(%dma_wait3A_115 : memref<32x1024xf32, #tpu.memory_space<hbm>>)
    return
  }
}

#map = affine_map<(d0, d1) -> (0, 0)>
#map1 = affine_map<(d0, d1) -> (0)>
module attributes {stable_mosaic.version = 14 : i64} {
  func.func @gather_k(%arg0: i32, %arg1: i32, %arg2: memref<100000x1024xf32, #tpu.memory_space<hbm>>, %arg3: memref<8192xi32, #tpu.memory_space<hbm>>, %arg4: memref<4096x1024xf32, #tpu.memory_space<hbm>>, %arg5: memref<4x32xi32, #tpu.memory_space<vmem>>, %arg6: memref<32x1024xf32, #tpu.memory_space<vmem>>, %arg7: memref<32x1024xf32, #tpu.memory_space<vmem>>, %arg8: memref<32x1024xf32, #tpu.memory_space<vmem>>, %arg9: memref<!tpu.dma_semaphore, #tpu.memory_space<semaphore_mem>>, %arg10: memref<!tpu.dma_semaphore, #tpu.memory_space<semaphore_mem>>, %arg11: memref<!tpu.dma_semaphore, #tpu.memory_space<semaphore_mem>>, %arg12: memref<!tpu.dma_semaphore, #tpu.memory_space<semaphore_mem>>, %arg13: memref<!tpu.dma_semaphore, #tpu.memory_space<semaphore_mem>>, %arg14: memref<!tpu.dma_semaphore, #tpu.memory_space<semaphore_mem>>) attributes {dimension_semantics = [#tpu.dimension_semantics<core_parallel>, #tpu.dimension_semantics<subcore_parallel>], iteration_bounds = array<i64: 2, 16>, scalar_prefetch = 0 : i64, scratch_operands = 10 : i64, tpu.core_type = #tpu.core_type<sc_vector_subcore>, window_params = [{transform_indices = #map}, {transform_indices = #map1}, {transform_indices = #map}]} {
    %mul3A = arith.constant 2 : i32
    %mul3A_0 = arith.muli %arg1, %mul3A : i32
    %add3A = arith.addi %mul3A_0, %arg0 : i32
    %mul3A_1 = arith.constant 128 : i32
    %mul3A_2 = arith.muli %add3A, %mul3A_1 : i32
    %add3A_3 = arith.constant 0 : i32
    %add3A_4 = arith.addi %add3A_3, %mul3A_2 : i32
    %add3A_5 = arith.constant 0 : i32
    %add3A_6 = arith.addi %add3A_4, %add3A_5 : i32
    %run_scoped3A = arith.constant 0 : i32
    "tpu.region"() ({
      %run_scoped3A_116 = tpu.sem_alloc : memref<!tpu.dma_semaphore, #tpu.memory_space<semaphore_mem>>
      %dma_start3A_117 = arith.constant 0 : i32
      %dma_start3A_118 = tpu.memref_slice %arg5[%run_scoped3A, %dma_start3A_117] : memref<4x32xi32, #tpu.memory_space<vmem>> -> memref<1x32xi32, #tpu.memory_space<vmem>>
      %dma_start3A_119 = tpu.memref_squeeze %dma_start3A_118 : memref<1x32xi32, #tpu.memory_space<vmem>> -> memref<32xi32, #tpu.memory_space<vmem>>
      %dma_start3A_120 = tpu.memref_slice %arg3[%add3A_6] : memref<8192xi32, #tpu.memory_space<hbm>> -> memref<32xi32, #tpu.memory_space<hbm>>
      %dma_start3A_121 = arith.constant 0 : i32
      %dma_start3A_122 = tpu.memref_slice %arg5[%run_scoped3A, %dma_start3A_121] : memref<4x32xi32, #tpu.memory_space<vmem>> -> memref<1x32xi32, #tpu.memory_space<vmem>>
      %dma_start3A_123 = tpu.memref_squeeze %dma_start3A_122 : memref<1x32xi32, #tpu.memory_space<vmem>> -> memref<32xi32, #tpu.memory_space<vmem>>
      %dma_start3A_124 = tpu.memref_slice %arg3[%add3A_6] : memref<8192xi32, #tpu.memory_space<hbm>> -> memref<32xi32, #tpu.memory_space<hbm>>
      tpu.enqueue_dma source(%dma_start3A_124 : memref<32xi32, #tpu.memory_space<hbm>>) target(%dma_start3A_123 : memref<32xi32, #tpu.memory_space<vmem>>) target_semaphore(%run_scoped3A_116 : memref<!tpu.dma_semaphore, #tpu.memory_space<semaphore_mem>>)
      %dma_wait3A_125 = arith.constant 0 : i32
      %dma_wait3A_126 = tpu.memref_slice %arg5[%run_scoped3A, %dma_wait3A_125] : memref<4x32xi32, #tpu.memory_space<vmem>> -> memref<1x32xi32, #tpu.memory_space<vmem>>
      %dma_wait3A_127 = tpu.memref_squeeze %dma_wait3A_126 : memref<1x32xi32, #tpu.memory_space<vmem>> -> memref<32xi32, #tpu.memory_space<vmem>>
      %dma_wait3A_128 = tpu.memref_slice %arg3[%add3A_6] : memref<8192xi32, #tpu.memory_space<hbm>> -> memref<32xi32, #tpu.memory_space<hbm>>
      %dma_wait3A_129 = arith.constant 0 : i32
      %dma_wait3A_130 = tpu.memref_slice %arg5[%run_scoped3A, %dma_wait3A_129] : memref<4x32xi32, #tpu.memory_space<vmem>> -> memref<1x32xi32, #tpu.memory_space<vmem>>
      %dma_wait3A_131 = tpu.memref_squeeze %dma_wait3A_130 : memref<1x32xi32, #tpu.memory_space<vmem>> -> memref<32xi32, #tpu.memory_space<vmem>>
      %dma_wait3A_132 = tpu.memref_slice %arg3[%add3A_6] : memref<8192xi32, #tpu.memory_space<hbm>> -> memref<32xi32, #tpu.memory_space<hbm>>
      tpu.wait_dma2 semaphore(%run_scoped3A_116 : memref<!tpu.dma_semaphore, #tpu.memory_space<semaphore_mem>>) src(%dma_wait3A_132 : memref<32xi32, #tpu.memory_space<hbm>>) dst(%dma_wait3A_131 : memref<32xi32, #tpu.memory_space<vmem>>)
      tpu.yield
    }) : () -> ()
    %add3A_7 = arith.constant 0 : i32
    %add3A_8 = arith.addi %add3A_7, %mul3A_2 : i32
    %add3A_9 = arith.constant 32 : i32
    %add3A_10 = arith.addi %add3A_8, %add3A_9 : i32
    %run_scoped3A_11 = arith.constant 1 : i32
    "tpu.region"() ({
      %run_scoped3A_116 = tpu.sem_alloc : memref<!tpu.dma_semaphore, #tpu.memory_space<semaphore_mem>>
      %dma_start3A_117 = arith.constant 0 : i32
      %dma_start3A_118 = tpu.memref_slice %arg5[%run_scoped3A_11, %dma_start3A_117] : memref<4x32xi32, #tpu.memory_space<vmem>> -> memref<1x32xi32, #tpu.memory_space<vmem>>
      %dma_start3A_119 = tpu.memref_squeeze %dma_start3A_118 : memref<1x32xi32, #tpu.memory_space<vmem>> -> memref<32xi32, #tpu.memory_space<vmem>>
      %dma_start3A_120 = tpu.memref_slice %arg3[%add3A_10] : memref<8192xi32, #tpu.memory_space<hbm>> -> memref<32xi32, #tpu.memory_space<hbm>>
      %dma_start3A_121 = arith.constant 0 : i32
      %dma_start3A_122 = tpu.memref_slice %arg5[%run_scoped3A_11, %dma_start3A_121] : memref<4x32xi32, #tpu.memory_space<vmem>> -> memref<1x32xi32, #tpu.memory_space<vmem>>
      %dma_start3A_123 = tpu.memref_squeeze %dma_start3A_122 : memref<1x32xi32, #tpu.memory_space<vmem>> -> memref<32xi32, #tpu.memory_space<vmem>>
      %dma_start3A_124 = tpu.memref_slice %arg3[%add3A_10] : memref<8192xi32, #tpu.memory_space<hbm>> -> memref<32xi32, #tpu.memory_space<hbm>>
      tpu.enqueue_dma source(%dma_start3A_124 : memref<32xi32, #tpu.memory_space<hbm>>) target(%dma_start3A_123 : memref<32xi32, #tpu.memory_space<vmem>>) target_semaphore(%run_scoped3A_116 : memref<!tpu.dma_semaphore, #tpu.memory_space<semaphore_mem>>)
      %dma_wait3A_125 = arith.constant 0 : i32
      %dma_wait3A_126 = tpu.memref_slice %arg5[%run_scoped3A_11, %dma_wait3A_125] : memref<4x32xi32, #tpu.memory_space<vmem>> -> memref<1x32xi32, #tpu.memory_space<vmem>>
      %dma_wait3A_127 = tpu.memref_squeeze %dma_wait3A_126 : memref<1x32xi32, #tpu.memory_space<vmem>> -> memref<32xi32, #tpu.memory_space<vmem>>
      %dma_wait3A_128 = tpu.memref_slice %arg3[%add3A_10] : memref<8192xi32, #tpu.memory_space<hbm>> -> memref<32xi32, #tpu.memory_space<hbm>>
      %dma_wait3A_129 = arith.constant 0 : i32
      %dma_wait3A_130 = tpu.memref_slice %arg5[%run_scoped3A_11, %dma_wait3A_129] : memref<4x32xi32, #tpu.memory_space<vmem>> -> memref<1x32xi32, #tpu.memory_space<vmem>>
      %dma_wait3A_131 = tpu.memref_squeeze %dma_wait3A_130 : memref<1x32xi32, #tpu.memory_space<vmem>> -> memref<32xi32, #tpu.memory_space<vmem>>
      %dma_wait3A_132 = tpu.memref_slice %arg3[%add3A_10] : memref<8192xi32, #tpu.memory_space<hbm>> -> memref<32xi32, #tpu.memory_space<hbm>>
      tpu.wait_dma2 semaphore(%run_scoped3A_116 : memref<!tpu.dma_semaphore, #tpu.memory_space<semaphore_mem>>) src(%dma_wait3A_132 : memref<32xi32, #tpu.memory_space<hbm>>) dst(%dma_wait3A_131 : memref<32xi32, #tpu.memory_space<vmem>>)
      tpu.yield
    }) : () -> ()
    %add3A_12 = arith.constant 0 : i32
    %add3A_13 = arith.addi %add3A_12, %mul3A_2 : i32
    %add3A_14 = arith.constant 64 : i32
    %add3A_15 = arith.addi %add3A_13, %add3A_14 : i32
    %run_scoped3A_16 = arith.constant 2 : i32
    "tpu.region"() ({
      %run_scoped3A_116 = tpu.sem_alloc : memref<!tpu.dma_semaphore, #tpu.memory_space<semaphore_mem>>
      %dma_start3A_117 = arith.constant 0 : i32
      %dma_start3A_118 = tpu.memref_slice %arg5[%run_scoped3A_16, %dma_start3A_117] : memref<4x32xi32, #tpu.memory_space<vmem>> -> memref<1x32xi32, #tpu.memory_space<vmem>>
      %dma_start3A_119 = tpu.memref_squeeze %dma_start3A_118 : memref<1x32xi32, #tpu.memory_space<vmem>> -> memref<32xi32, #tpu.memory_space<vmem>>
      %dma_start3A_120 = tpu.memref_slice %arg3[%add3A_15] : memref<8192xi32, #tpu.memory_space<hbm>> -> memref<32xi32, #tpu.memory_space<hbm>>
      %dma_start3A_121 = arith.constant 0 : i32
      %dma_start3A_122 = tpu.memref_slice %arg5[%run_scoped3A_16, %dma_start3A_121] : memref<4x32xi32, #tpu.memory_space<vmem>> -> memref<1x32xi32, #tpu.memory_space<vmem>>
      %dma_start3A_123 = tpu.memref_squeeze %dma_start3A_122 : memref<1x32xi32, #tpu.memory_space<vmem>> -> memref<32xi32, #tpu.memory_space<vmem>>
      %dma_start3A_124 = tpu.memref_slice %arg3[%add3A_15] : memref<8192xi32, #tpu.memory_space<hbm>> -> memref<32xi32, #tpu.memory_space<hbm>>
      tpu.enqueue_dma source(%dma_start3A_124 : memref<32xi32, #tpu.memory_space<hbm>>) target(%dma_start3A_123 : memref<32xi32, #tpu.memory_space<vmem>>) target_semaphore(%run_scoped3A_116 : memref<!tpu.dma_semaphore, #tpu.memory_space<semaphore_mem>>)
      %dma_wait3A_125 = arith.constant 0 : i32
      %dma_wait3A_126 = tpu.memref_slice %arg5[%run_scoped3A_16, %dma_wait3A_125] : memref<4x32xi32, #tpu.memory_space<vmem>> -> memref<1x32xi32, #tpu.memory_space<vmem>>
      %dma_wait3A_127 = tpu.memref_squeeze %dma_wait3A_126 : memref<1x32xi32, #tpu.memory_space<vmem>> -> memref<32xi32, #tpu.memory_space<vmem>>
      %dma_wait3A_128 = tpu.memref_slice %arg3[%add3A_15] : memref<8192xi32, #tpu.memory_space<hbm>> -> memref<32xi32, #tpu.memory_space<hbm>>
      %dma_wait3A_129 = arith.constant 0 : i32
      %dma_wait3A_130 = tpu.memref_slice %arg5[%run_scoped3A_16, %dma_wait3A_129] : memref<4x32xi32, #tpu.memory_space<vmem>> -> memref<1x32xi32, #tpu.memory_space<vmem>>
      %dma_wait3A_131 = tpu.memref_squeeze %dma_wait3A_130 : memref<1x32xi32, #tpu.memory_space<vmem>> -> memref<32xi32, #tpu.memory_space<vmem>>
      %dma_wait3A_132 = tpu.memref_slice %arg3[%add3A_15] : memref<8192xi32, #tpu.memory_space<hbm>> -> memref<32xi32, #tpu.memory_space<hbm>>
      tpu.wait_dma2 semaphore(%run_scoped3A_116 : memref<!tpu.dma_semaphore, #tpu.memory_space<semaphore_mem>>) src(%dma_wait3A_132 : memref<32xi32, #tpu.memory_space<hbm>>) dst(%dma_wait3A_131 : memref<32xi32, #tpu.memory_space<vmem>>)
      tpu.yield
    }) : () -> ()
    %add3A_17 = arith.constant 0 : i32
    %add3A_18 = arith.addi %add3A_17, %mul3A_2 : i32
    %add3A_19 = arith.constant 96 : i32
    %add3A_20 = arith.addi %add3A_18, %add3A_19 : i32
    %run_scoped3A_21 = arith.constant 3 : i32
    "tpu.region"() ({
      %run_scoped3A_116 = tpu.sem_alloc : memref<!tpu.dma_semaphore, #tpu.memory_space<semaphore_mem>>
      %dma_start3A_117 = arith.constant 0 : i32
      %dma_start3A_118 = tpu.memref_slice %arg5[%run_scoped3A_21, %dma_start3A_117] : memref<4x32xi32, #tpu.memory_space<vmem>> -> memref<1x32xi32, #tpu.memory_space<vmem>>
      %dma_start3A_119 = tpu.memref_squeeze %dma_start3A_118 : memref<1x32xi32, #tpu.memory_space<vmem>> -> memref<32xi32, #tpu.memory_space<vmem>>
      %dma_start3A_120 = tpu.memref_slice %arg3[%add3A_20] : memref<8192xi32, #tpu.memory_space<hbm>> -> memref<32xi32, #tpu.memory_space<hbm>>
      %dma_start3A_121 = arith.constant 0 : i32
      %dma_start3A_122 = tpu.memref_slice %arg5[%run_scoped3A_21, %dma_start3A_121] : memref<4x32xi32, #tpu.memory_space<vmem>> -> memref<1x32xi32, #tpu.memory_space<vmem>>
      %dma_start3A_123 = tpu.memref_squeeze %dma_start3A_122 : memref<1x32xi32, #tpu.memory_space<vmem>> -> memref<32xi32, #tpu.memory_space<vmem>>
      %dma_start3A_124 = tpu.memref_slice %arg3[%add3A_20] : memref<8192xi32, #tpu.memory_space<hbm>> -> memref<32xi32, #tpu.memory_space<hbm>>
      tpu.enqueue_dma source(%dma_start3A_124 : memref<32xi32, #tpu.memory_space<hbm>>) target(%dma_start3A_123 : memref<32xi32, #tpu.memory_space<vmem>>) target_semaphore(%run_scoped3A_116 : memref<!tpu.dma_semaphore, #tpu.memory_space<semaphore_mem>>)
      %dma_wait3A_125 = arith.constant 0 : i32
      %dma_wait3A_126 = tpu.memref_slice %arg5[%run_scoped3A_21, %dma_wait3A_125] : memref<4x32xi32, #tpu.memory_space<vmem>> -> memref<1x32xi32, #tpu.memory_space<vmem>>
      %dma_wait3A_127 = tpu.memref_squeeze %dma_wait3A_126 : memref<1x32xi32, #tpu.memory_space<vmem>> -> memref<32xi32, #tpu.memory_space<vmem>>
      %dma_wait3A_128 = tpu.memref_slice %arg3[%add3A_20] : memref<8192xi32, #tpu.memory_space<hbm>> -> memref<32xi32, #tpu.memory_space<hbm>>
      %dma_wait3A_129 = arith.constant 0 : i32
      %dma_wait3A_130 = tpu.memref_slice %arg5[%run_scoped3A_21, %dma_wait3A_129] : memref<4x32xi32, #tpu.memory_space<vmem>> -> memref<1x32xi32, #tpu.memory_space<vmem>>
      %dma_wait3A_131 = tpu.memref_squeeze %dma_wait3A_130 : memref<1x32xi32, #tpu.memory_space<vmem>> -> memref<32xi32, #tpu.memory_space<vmem>>
      %dma_wait3A_132 = tpu.memref_slice %arg3[%add3A_20] : memref<8192xi32, #tpu.memory_space<hbm>> -> memref<32xi32, #tpu.memory_space<hbm>>
      tpu.wait_dma2 semaphore(%run_scoped3A_116 : memref<!tpu.dma_semaphore, #tpu.memory_space<semaphore_mem>>) src(%dma_wait3A_132 : memref<32xi32, #tpu.memory_space<hbm>>) dst(%dma_wait3A_131 : memref<32xi32, #tpu.memory_space<vmem>>)
      tpu.yield
    }) : () -> ()
    %dma_start3A = arith.constant 0 : i32
    %dma_start3A_22 = arith.constant 0 : i32
    %dma_start3A_23 = tpu.memref_slice %arg5[%dma_start3A, %dma_start3A_22] : memref<4x32xi32, #tpu.memory_space<vmem>> -> memref<1x32xi32, #tpu.memory_space<vmem>>
    %dma_start3A_24 = tpu.memref_squeeze %dma_start3A_23 : memref<1x32xi32, #tpu.memory_space<vmem>> -> memref<32xi32, #tpu.memory_space<vmem>>
    %dma_start3A_25 = arith.constant 0 : i32
    %dma_start3A_26 = arith.constant 0 : i32
    %dma_start3A_27 = tpu.memref_slice %arg2[%dma_start3A_25, %dma_start3A_26] : memref<100000x1024xf32, #tpu.memory_space<hbm>> -> memref<100000x1024xf32, #tpu.memory_space<hbm>>
    tpu.enqueue_indirect_dma source(%dma_start3A_27 : memref<100000x1024xf32, #tpu.memory_space<hbm>>) target(%arg6 : memref<32x1024xf32, #tpu.memory_space<vmem>>) offsets(%dma_start3A_24 : memref<32xi32, #tpu.memory_space<vmem>>) semaphore(%arg9 : memref<!tpu.dma_semaphore, #tpu.memory_space<semaphore_mem>>)
    %dma_start3A_28 = arith.constant 1 : i32
    %dma_start3A_29 = arith.constant 0 : i32
    %dma_start3A_30 = tpu.memref_slice %arg5[%dma_start3A_28, %dma_start3A_29] : memref<4x32xi32, #tpu.memory_space<vmem>> -> memref<1x32xi32, #tpu.memory_space<vmem>>
    %dma_start3A_31 = tpu.memref_squeeze %dma_start3A_30 : memref<1x32xi32, #tpu.memory_space<vmem>> -> memref<32xi32, #tpu.memory_space<vmem>>
    %dma_start3A_32 = arith.constant 0 : i32
    %dma_start3A_33 = arith.constant 0 : i32
    %dma_start3A_34 = tpu.memref_slice %arg2[%dma_start3A_32, %dma_start3A_33] : memref<100000x1024xf32, #tpu.memory_space<hbm>> -> memref<100000x1024xf32, #tpu.memory_space<hbm>>
    tpu.enqueue_indirect_dma source(%dma_start3A_34 : memref<100000x1024xf32, #tpu.memory_space<hbm>>) target(%arg7 : memref<32x1024xf32, #tpu.memory_space<vmem>>) offsets(%dma_start3A_31 : memref<32xi32, #tpu.memory_space<vmem>>) semaphore(%arg10 : memref<!tpu.dma_semaphore, #tpu.memory_space<semaphore_mem>>)
    %dma_start3A_35 = arith.constant 2 : i32
    %dma_start3A_36 = arith.constant 0 : i32
    %dma_start3A_37 = tpu.memref_slice %arg5[%dma_start3A_35, %dma_start3A_36] : memref<4x32xi32, #tpu.memory_space<vmem>> -> memref<1x32xi32, #tpu.memory_space<vmem>>
    %dma_start3A_38 = tpu.memref_squeeze %dma_start3A_37 : memref<1x32xi32, #tpu.memory_space<vmem>> -> memref<32xi32, #tpu.memory_space<vmem>>
    %dma_start3A_39 = arith.constant 0 : i32
    %dma_start3A_40 = arith.constant 0 : i32
    %dma_start3A_41 = tpu.memref_slice %arg2[%dma_start3A_39, %dma_start3A_40] : memref<100000x1024xf32, #tpu.memory_space<hbm>> -> memref<100000x1024xf32, #tpu.memory_space<hbm>>
    tpu.enqueue_indirect_dma source(%dma_start3A_41 : memref<100000x1024xf32, #tpu.memory_space<hbm>>) target(%arg8 : memref<32x1024xf32, #tpu.memory_space<vmem>>) offsets(%dma_start3A_38 : memref<32xi32, #tpu.memory_space<vmem>>) semaphore(%arg11 : memref<!tpu.dma_semaphore, #tpu.memory_space<semaphore_mem>>)
    %dma_wait3A = arith.constant 0 : i32
    %dma_wait3A_42 = arith.constant 0 : i32
    %dma_wait3A_43 = tpu.memref_slice %arg5[%dma_wait3A, %dma_wait3A_42] : memref<4x32xi32, #tpu.memory_space<vmem>> -> memref<1x32xi32, #tpu.memory_space<vmem>>
    %dma_wait3A_44 = tpu.memref_squeeze %dma_wait3A_43 : memref<1x32xi32, #tpu.memory_space<vmem>> -> memref<32xi32, #tpu.memory_space<vmem>>
    %dma_wait3A_45 = arith.constant 0 : i32
    %dma_wait3A_46 = arith.constant 0 : i32
    %dma_wait3A_47 = tpu.memref_slice %arg2[%dma_wait3A_45, %dma_wait3A_46] : memref<100000x1024xf32, #tpu.memory_space<hbm>> -> memref<100000x1024xf32, #tpu.memory_space<hbm>>
    tpu.wait_indirect_dma semaphore(%arg9 : memref<!tpu.dma_semaphore, #tpu.memory_space<semaphore_mem>>) src(%dma_wait3A_47 : memref<100000x1024xf32, #tpu.memory_space<hbm>>) dst(%arg6 : memref<32x1024xf32, #tpu.memory_space<vmem>>)
    %add3A_48 = arith.constant 0 : i32
    %add3A_49 = arith.addi %mul3A_2, %add3A_48 : i32
    %dma_start3A_50 = arith.constant 0 : i32
    %dma_start3A_51 = tpu.memref_slice %arg4[%add3A_49, %dma_start3A_50] : memref<4096x1024xf32, #tpu.memory_space<hbm>> -> memref<32x1024xf32, #tpu.memory_space<hbm>>
    %dma_start3A_52 = arith.constant 0 : i32
    %dma_start3A_53 = tpu.memref_slice %arg4[%add3A_49, %dma_start3A_52] : memref<4096x1024xf32, #tpu.memory_space<hbm>> -> memref<32x1024xf32, #tpu.memory_space<hbm>>
    tpu.enqueue_dma source(%arg6 : memref<32x1024xf32, #tpu.memory_space<vmem>>) target(%dma_start3A_53 : memref<32x1024xf32, #tpu.memory_space<hbm>>) target_semaphore(%arg12 : memref<!tpu.dma_semaphore, #tpu.memory_space<semaphore_mem>>)
    %dma_wait3A_54 = arith.constant 0 : i32
    %dma_wait3A_55 = tpu.memref_slice %arg4[%add3A_49, %dma_wait3A_54] : memref<4096x1024xf32, #tpu.memory_space<hbm>> -> memref<32x1024xf32, #tpu.memory_space<hbm>>
    %dma_wait3A_56 = arith.constant 0 : i32
    %dma_wait3A_57 = tpu.memref_slice %arg4[%add3A_49, %dma_wait3A_56] : memref<4096x1024xf32, #tpu.memory_space<hbm>> -> memref<32x1024xf32, #tpu.memory_space<hbm>>
    tpu.wait_dma2 semaphore(%arg12 : memref<!tpu.dma_semaphore, #tpu.memory_space<semaphore_mem>>) src(%arg6 : memref<32x1024xf32, #tpu.memory_space<vmem>>) dst(%dma_wait3A_57 : memref<32x1024xf32, #tpu.memory_space<hbm>>)
    %dma_start3A_58 = arith.constant 3 : i32
    %dma_start3A_59 = arith.constant 0 : i32
    %dma_start3A_60 = tpu.memref_slice %arg5[%dma_start3A_58, %dma_start3A_59] : memref<4x32xi32, #tpu.memory_space<vmem>> -> memref<1x32xi32, #tpu.memory_space<vmem>>
    %dma_start3A_61 = tpu.memref_squeeze %dma_start3A_60 : memref<1x32xi32, #tpu.memory_space<vmem>> -> memref<32xi32, #tpu.memory_space<vmem>>
    %dma_start3A_62 = arith.constant 0 : i32
    %dma_start3A_63 = arith.constant 0 : i32
    %dma_start3A_64 = tpu.memref_slice %arg2[%dma_start3A_62, %dma_start3A_63] : memref<100000x1024xf32, #tpu.memory_space<hbm>> -> memref<100000x1024xf32, #tpu.memory_space<hbm>>
    tpu.enqueue_indirect_dma source(%dma_start3A_64 : memref<100000x1024xf32, #tpu.memory_space<hbm>>) target(%arg6 : memref<32x1024xf32, #tpu.memory_space<vmem>>) offsets(%dma_start3A_61 : memref<32xi32, #tpu.memory_space<vmem>>) semaphore(%arg9 : memref<!tpu.dma_semaphore, #tpu.memory_space<semaphore_mem>>)
    %dma_wait3A_65 = arith.constant 1 : i32
    %dma_wait3A_66 = arith.constant 0 : i32
    %dma_wait3A_67 = tpu.memref_slice %arg5[%dma_wait3A_65, %dma_wait3A_66] : memref<4x32xi32, #tpu.memory_space<vmem>> -> memref<1x32xi32, #tpu.memory_space<vmem>>
    %dma_wait3A_68 = tpu.memref_squeeze %dma_wait3A_67 : memref<1x32xi32, #tpu.memory_space<vmem>> -> memref<32xi32, #tpu.memory_space<vmem>>
    %dma_wait3A_69 = arith.constant 0 : i32
    %dma_wait3A_70 = arith.constant 0 : i32
    %dma_wait3A_71 = tpu.memref_slice %arg2[%dma_wait3A_69, %dma_wait3A_70] : memref<100000x1024xf32, #tpu.memory_space<hbm>> -> memref<100000x1024xf32, #tpu.memory_space<hbm>>
    tpu.wait_indirect_dma semaphore(%arg10 : memref<!tpu.dma_semaphore, #tpu.memory_space<semaphore_mem>>) src(%dma_wait3A_71 : memref<100000x1024xf32, #tpu.memory_space<hbm>>) dst(%arg7 : memref<32x1024xf32, #tpu.memory_space<vmem>>)
    %add3A_72 = arith.constant 32 : i32
    %add3A_73 = arith.addi %mul3A_2, %add3A_72 : i32
    %dma_start3A_74 = arith.constant 0 : i32
    %dma_start3A_75 = tpu.memref_slice %arg4[%add3A_73, %dma_start3A_74] : memref<4096x1024xf32, #tpu.memory_space<hbm>> -> memref<32x1024xf32, #tpu.memory_space<hbm>>
    %dma_start3A_76 = arith.constant 0 : i32
    %dma_start3A_77 = tpu.memref_slice %arg4[%add3A_73, %dma_start3A_76] : memref<4096x1024xf32, #tpu.memory_space<hbm>> -> memref<32x1024xf32, #tpu.memory_space<hbm>>
    tpu.enqueue_dma source(%arg7 : memref<32x1024xf32, #tpu.memory_space<vmem>>) target(%dma_start3A_77 : memref<32x1024xf32, #tpu.memory_space<hbm>>) target_semaphore(%arg13 : memref<!tpu.dma_semaphore, #tpu.memory_space<semaphore_mem>>)
    %dma_wait3A_78 = arith.constant 2 : i32
    %dma_wait3A_79 = arith.constant 0 : i32
    %dma_wait3A_80 = tpu.memref_slice %arg5[%dma_wait3A_78, %dma_wait3A_79] : memref<4x32xi32, #tpu.memory_space<vmem>> -> memref<1x32xi32, #tpu.memory_space<vmem>>
    %dma_wait3A_81 = tpu.memref_squeeze %dma_wait3A_80 : memref<1x32xi32, #tpu.memory_space<vmem>> -> memref<32xi32, #tpu.memory_space<vmem>>
    %dma_wait3A_82 = arith.constant 0 : i32
    %dma_wait3A_83 = arith.constant 0 : i32
    %dma_wait3A_84 = tpu.memref_slice %arg2[%dma_wait3A_82, %dma_wait3A_83] : memref<100000x1024xf32, #tpu.memory_space<hbm>> -> memref<100000x1024xf32, #tpu.memory_space<hbm>>
    tpu.wait_indirect_dma semaphore(%arg11 : memref<!tpu.dma_semaphore, #tpu.memory_space<semaphore_mem>>) src(%dma_wait3A_84 : memref<100000x1024xf32, #tpu.memory_space<hbm>>) dst(%arg8 : memref<32x1024xf32, #tpu.memory_space<vmem>>)
    %add3A_85 = arith.constant 64 : i32
    %add3A_86 = arith.addi %mul3A_2, %add3A_85 : i32
    %dma_start3A_87 = arith.constant 0 : i32
    %dma_start3A_88 = tpu.memref_slice %arg4[%add3A_86, %dma_start3A_87] : memref<4096x1024xf32, #tpu.memory_space<hbm>> -> memref<32x1024xf32, #tpu.memory_space<hbm>>
    %dma_start3A_89 = arith.constant 0 : i32
    %dma_start3A_90 = tpu.memref_slice %arg4[%add3A_86, %dma_start3A_89] : memref<4096x1024xf32, #tpu.memory_space<hbm>> -> memref<32x1024xf32, #tpu.memory_space<hbm>>
    tpu.enqueue_dma source(%arg8 : memref<32x1024xf32, #tpu.memory_space<vmem>>) target(%dma_start3A_90 : memref<32x1024xf32, #tpu.memory_space<hbm>>) target_semaphore(%arg14 : memref<!tpu.dma_semaphore, #tpu.memory_space<semaphore_mem>>)
    %dma_wait3A_91 = arith.constant 3 : i32
    %dma_wait3A_92 = arith.constant 0 : i32
    %dma_wait3A_93 = tpu.memref_slice %arg5[%dma_wait3A_91, %dma_wait3A_92] : memref<4x32xi32, #tpu.memory_space<vmem>> -> memref<1x32xi32, #tpu.memory_space<vmem>>
    %dma_wait3A_94 = tpu.memref_squeeze %dma_wait3A_93 : memref<1x32xi32, #tpu.memory_space<vmem>> -> memref<32xi32, #tpu.memory_space<vmem>>
    %dma_wait3A_95 = arith.constant 0 : i32
    %dma_wait3A_96 = arith.constant 0 : i32
    %dma_wait3A_97 = tpu.memref_slice %arg2[%dma_wait3A_95, %dma_wait3A_96] : memref<100000x1024xf32, #tpu.memory_space<hbm>> -> memref<100000x1024xf32, #tpu.memory_space<hbm>>
    tpu.wait_indirect_dma semaphore(%arg9 : memref<!tpu.dma_semaphore, #tpu.memory_space<semaphore_mem>>) src(%dma_wait3A_97 : memref<100000x1024xf32, #tpu.memory_space<hbm>>) dst(%arg6 : memref<32x1024xf32, #tpu.memory_space<vmem>>)
    %add3A_98 = arith.constant 96 : i32
    %add3A_99 = arith.addi %mul3A_2, %add3A_98 : i32
    %dma_start3A_100 = arith.constant 0 : i32
    %dma_start3A_101 = tpu.memref_slice %arg4[%add3A_99, %dma_start3A_100] : memref<4096x1024xf32, #tpu.memory_space<hbm>> -> memref<32x1024xf32, #tpu.memory_space<hbm>>
    %dma_start3A_102 = arith.constant 0 : i32
    %dma_start3A_103 = tpu.memref_slice %arg4[%add3A_99, %dma_start3A_102] : memref<4096x1024xf32, #tpu.memory_space<hbm>> -> memref<32x1024xf32, #tpu.memory_space<hbm>>
    tpu.enqueue_dma source(%arg6 : memref<32x1024xf32, #tpu.memory_space<vmem>>) target(%dma_start3A_103 : memref<32x1024xf32, #tpu.memory_space<hbm>>) target_semaphore(%arg12 : memref<!tpu.dma_semaphore, #tpu.memory_space<semaphore_mem>>)
    %dma_wait3A_104 = arith.constant 0 : i32
    %dma_wait3A_105 = tpu.memref_slice %arg4[%add3A_73, %dma_wait3A_104] : memref<4096x1024xf32, #tpu.memory_space<hbm>> -> memref<32x1024xf32, #tpu.memory_space<hbm>>
    %dma_wait3A_106 = arith.constant 0 : i32
    %dma_wait3A_107 = tpu.memref_slice %arg4[%add3A_73, %dma_wait3A_106] : memref<4096x1024xf32, #tpu.memory_space<hbm>> -> memref<32x1024xf32, #tpu.memory_space<hbm>>
    tpu.wait_dma2 semaphore(%arg13 : memref<!tpu.dma_semaphore, #tpu.memory_space<semaphore_mem>>) src(%arg7 : memref<32x1024xf32, #tpu.memory_space<vmem>>) dst(%dma_wait3A_107 : memref<32x1024xf32, #tpu.memory_space<hbm>>)
    %dma_wait3A_108 = arith.constant 0 : i32
    %dma_wait3A_109 = tpu.memref_slice %arg4[%add3A_86, %dma_wait3A_108] : memref<4096x1024xf32, #tpu.memory_space<hbm>> -> memref<32x1024xf32, #tpu.memory_space<hbm>>
    %dma_wait3A_110 = arith.constant 0 : i32
    %dma_wait3A_111 = tpu.memref_slice %arg4[%add3A_86, %dma_wait3A_110] : memref<4096x1024xf32, #tpu.memory_space<hbm>> -> memref<32x1024xf32, #tpu.memory_space<hbm>>
    tpu.wait_dma2 semaphore(%arg14 : memref<!tpu.dma_semaphore, #tpu.memory_space<semaphore_mem>>) src(%arg8 : memref<32x1024xf32, #tpu.memory_space<vmem>>) dst(%dma_wait3A_111 : memref<32x1024xf32, #tpu.memory_space<hbm>>)
    %dma_wait3A_112 = arith.constant 0 : i32
    %dma_wait3A_113 = tpu.memref_slice %arg4[%add3A_99, %dma_wait3A_112] : memref<4096x1024xf32, #tpu.memory_space<hbm>> -> memref<32x1024xf32, #tpu.memory_space<hbm>>
    %dma_wait3A_114 = arith.constant 0 : i32
    %dma_wait3A_115 = tpu.memref_slice %arg4[%add3A_99, %dma_wait3A_114] : memref<4096x1024xf32, #tpu.memory_space<hbm>> -> memref<32x1024xf32, #tpu.memory_space<hbm>>
    tpu.wait_dma2 semaphore(%arg12 : memref<!tpu.dma_semaphore, #tpu.memory_space<semaphore_mem>>) src(%arg6 : memref<32x1024xf32, #tpu.memory_space<vmem>>) dst(%dma_wait3A_115 : memref<32x1024xf32, #tpu.memory_space<hbm>>)
    return
  }
}

module attributes {stable_mosaic.version = 14 : i64} {
  func.func @_ln_core(%arg0: i32, %arg1: memref<2048x1024xf32, #tpu.memory_space<vmem>>, %arg2: memref<2048x1xf32, #tpu.memory_space<vmem>>, %arg3: memref<2x1024xf32, #tpu.memory_space<vmem>>, %arg4: memref<1x1024xf32, #tpu.memory_space<vmem>>, %arg5: memref<1x1024xf32, #tpu.memory_space<vmem>>, %arg6: memref<2048x1024xf32, #tpu.memory_space<vmem>>) attributes {dimension_semantics = [#tpu.dimension_semantics<arbitrary>], iteration_bounds = array<i64: 2>, scalar_prefetch = 0 : i64, scratch_operands = 0 : i64, tpu.core_type = #tpu.core_type<tc>, window_params = [{transform_indices = @transform_0, window_bounds = array<i64: 2048, 1024>}, {transform_indices = @transform_1, window_bounds = array<i64: 2048, 1>}, {pipeline_mode = #tpu.pipeline_mode<synchronous>, transform_indices = @transform_2, window_bounds = array<i64: 2, 1024>}, {pipeline_mode = #tpu.pipeline_mode<synchronous>, transform_indices = @transform_3, window_bounds = array<i64: 1, 1024>}, {pipeline_mode = #tpu.pipeline_mode<synchronous>, transform_indices = @transform_4, window_bounds = array<i64: 1, 1024>}, {transform_indices = @transform_5, window_bounds = array<i64: 2048, 1024>}]} {
    %get3A = arith.constant 0 : index
    %get3A_0 = arith.constant 0 : index
    %get3A_1 = vector.load %arg1[%get3A, %get3A_0] : memref<2048x1024xf32, #tpu.memory_space<vmem>>, vector<2048x1024xf32>
    %get3A_2 = arith.constant 0 : index
    %get3A_3 = arith.constant 0 : index
    %get3A_4 = vector.load %arg3[%get3A_2, %get3A_3] : memref<2x1024xf32, #tpu.memory_space<vmem>>, vector<1x1024xf32>
    %get3A_5 = arith.constant 1 : index
    %get3A_6 = arith.constant 0 : index
    %get3A_7 = vector.load %arg3[%get3A_5, %get3A_6] : memref<2x1024xf32, #tpu.memory_space<vmem>>, vector<1x1024xf32>
    %get3A_8 = arith.constant 0 : index
    %get3A_9 = arith.constant 0 : index
    %get3A_10 = vector.load %arg2[%get3A_8, %get3A_9] : memref<2048x1xf32, #tpu.memory_space<vmem>>, vector<2048x1xf32>
    %add3A = vector.broadcast %get3A_4 : vector<1x1024xf32> to vector<2048x1024xf32>
    %add3A_11 = arith.addf %get3A_1, %add3A : vector<2048x1024xf32>
    %sub3A = arith.subf %get3A_7, %get3A_4 : vector<1x1024xf32>
    %mul3A = vector.broadcast %get3A_10 : vector<2048x1xf32> to vector<2048x1024xf32>
    %mul3A_12 = vector.broadcast %sub3A : vector<1x1024xf32> to vector<2048x1024xf32>
    %mul3A_13 = arith.mulf %mul3A, %mul3A_12 : vector<2048x1024xf32>
    %add3A_14 = arith.addf %add3A_11, %mul3A_13 : vector<2048x1024xf32>
    %reduce_sum3A = arith.constant dense<0.000000e+00> : vector<2048xf32>
    %reduce_sum3A_15 = vector.multi_reduction <add>, %add3A_14, %reduce_sum3A [1] : vector<2048x1024xf32> to vector<2048xf32>
    %broadcast_in_dim3A = vector.shape_cast %reduce_sum3A_15 : vector<2048xf32> to vector<2048x1xf32>
    %mul3A_16 = arith.mulf %add3A_14, %add3A_14 : vector<2048x1024xf32>
    %reduce_sum3A_17 = arith.constant dense<0.000000e+00> : vector<2048xf32>
    %reduce_sum3A_18 = vector.multi_reduction <add>, %mul3A_16, %reduce_sum3A_17 [1] : vector<2048x1024xf32> to vector<2048xf32>
    %broadcast_in_dim3A_19 = vector.shape_cast %reduce_sum3A_18 : vector<2048xf32> to vector<2048x1xf32>
    %mul3A_20 = arith.constant 9.765625E-4 : f32
    %mul3A_21 = vector.broadcast %mul3A_20 : f32 to vector<2048x1xf32>
    %mul3A_22 = arith.mulf %broadcast_in_dim3A, %mul3A_21 : vector<2048x1xf32>
    %mul3A_23 = arith.constant 9.765625E-4 : f32
    %mul3A_24 = vector.broadcast %mul3A_23 : f32 to vector<2048x1xf32>
    %mul3A_25 = arith.mulf %broadcast_in_dim3A_19, %mul3A_24 : vector<2048x1xf32>
    %mul3A_26 = arith.mulf %mul3A_22, %mul3A_22 : vector<2048x1xf32>
    %sub3A_27 = arith.subf %mul3A_25, %mul3A_26 : vector<2048x1xf32>
    %add3A_28 = arith.constant 9.99999996E-13 : f32
    %add3A_29 = vector.broadcast %add3A_28 : f32 to vector<2048x1xf32>
    %add3A_30 = arith.addf %sub3A_27, %add3A_29 : vector<2048x1xf32>
    %rsqrt3A = math.rsqrt %add3A_30 : vector<2048x1xf32>
    %get3A_31 = arith.constant 0 : index
    %get3A_32 = arith.constant 0 : index
    %get3A_33 = vector.load %arg4[%get3A_31, %get3A_32] : memref<1x1024xf32, #tpu.memory_space<vmem>>, vector<1x1024xf32>
    %mul3A_34 = vector.broadcast %rsqrt3A : vector<2048x1xf32> to vector<2048x1024xf32>
    %mul3A_35 = vector.broadcast %get3A_33 : vector<1x1024xf32> to vector<2048x1024xf32>
    %mul3A_36 = arith.mulf %mul3A_34, %mul3A_35 : vector<2048x1024xf32>
    %get3A_37 = arith.constant 0 : index
    %get3A_38 = arith.constant 0 : index
    %get3A_39 = vector.load %arg5[%get3A_37, %get3A_38] : memref<1x1024xf32, #tpu.memory_space<vmem>>, vector<1x1024xf32>
    %mul3A_40 = vector.broadcast %mul3A_22 : vector<2048x1xf32> to vector<2048x1024xf32>
    %mul3A_41 = arith.mulf %mul3A_40, %mul3A_36 : vector<2048x1024xf32>
    %sub3A_42 = vector.broadcast %get3A_39 : vector<1x1024xf32> to vector<2048x1024xf32>
    %sub3A_43 = arith.subf %sub3A_42, %mul3A_41 : vector<2048x1024xf32>
    %mul3A_44 = arith.mulf %add3A_14, %mul3A_36 : vector<2048x1024xf32>
    %add3A_45 = arith.addf %mul3A_44, %sub3A_43 : vector<2048x1024xf32>
    %swap3A = arith.constant 0 : index
    %swap3A_46 = arith.constant 0 : index
    %swap3A_47 = vector.load %arg6[%swap3A, %swap3A_46] : memref<2048x1024xf32, #tpu.memory_space<vmem>>, vector<2048x1024xf32>
    tpu.vector_store %arg6[%swap3A, %swap3A_46], %add3A_45 {strides = array<i32>} : memref<2048x1024xf32, #tpu.memory_space<vmem>>, vector<2048x1024xf32>,
    return
  }
  func.func @transform_0(%arg0: i32) -> (i32, i32) {
    %c0_i32 = arith.constant 0 : i32
    %c0_i32_0 = arith.constant 0 : i32
    return %arg0, %c0_i32 : i32, i32
  }
  func.func @transform_1(%arg0: i32) -> (i32, i32) {
    %add3A = arith.constant 0 : i32
    %add3A_0 = arith.addi %add3A, %arg0 : i32
    %c0_i32 = arith.constant 0 : i32
    %c0_i32_1 = arith.constant 0 : i32
    return %add3A_0, %c0_i32 : i32, i32
  }
  func.func @transform_2(%arg0: i32) -> (i32, i32) {
    %c0_i32 = arith.constant 0 : i32
    %c0_i32_0 = arith.constant 0 : i32
    %c0_i32_1 = arith.constant 0 : i32
    return %c0_i32, %c0_i32_0 : i32, i32
  }
  func.func @transform_3(%arg0: i32) -> (i32, i32) {
    %c0_i32 = arith.constant 0 : i32
    %c0_i32_0 = arith.constant 0 : i32
    %c0_i32_1 = arith.constant 0 : i32
    return %c0_i32, %c0_i32_0 : i32, i32
  }
  func.func @transform_4(%arg0: i32) -> (i32, i32) {
    %c0_i32 = arith.constant 0 : i32
    %c0_i32_0 = arith.constant 0 : i32
    %c0_i32_1 = arith.constant 0 : i32
    return %c0_i32, %c0_i32_0 : i32, i32
  }
  func.func @transform_5(%arg0: i32) -> (i32, i32) {
    %add3A = arith.constant 0 : i32
    %add3A_0 = arith.addi %add3A, %arg0 : i32
    %c0_i32 = arith.constant 0 : i32
    %c0_i32_1 = arith.constant 0 : i32
    return %add3A_0, %c0_i32 : i32, i32
  }
}

module attributes {stable_mosaic.version = 14 : i64} {
  func.func @_ln_body_alias(%arg0: i32, %arg1: memref<8192x1024xf32, #tpu.memory_space<any>>, %arg2: memref<2048x1024xf32, #tpu.memory_space<vmem>>, %arg3: memref<2048x1xf32, #tpu.memory_space<vmem>>, %arg4: memref<2x1024xf32, #tpu.memory_space<vmem>>, %arg5: memref<1x1024xf32, #tpu.memory_space<vmem>>, %arg6: memref<1x1024xf32, #tpu.memory_space<vmem>>, %arg7: memref<2048x1024xf32, #tpu.memory_space<vmem>>) attributes {dimension_semantics = [#tpu.dimension_semantics<arbitrary>], iteration_bounds = array<i64: 2>, scalar_prefetch = 0 : i64, scratch_operands = 0 : i64, tpu.core_type = #tpu.core_type<tc>, window_params = [{}, {transform_indices = @transform_1, window_bounds = array<i64: 2048, 1024>}, {transform_indices = @transform_2, window_bounds = array<i64: 2048, 1>}, {pipeline_mode = #tpu.pipeline_mode<synchronous>, transform_indices = @transform_3, window_bounds = array<i64: 2, 1024>}, {pipeline_mode = #tpu.pipeline_mode<synchronous>, transform_indices = @transform_4, window_bounds = array<i64: 1, 1024>}, {pipeline_mode = #tpu.pipeline_mode<synchronous>, transform_indices = @transform_5, window_bounds = array<i64: 1, 1024>}, {transform_indices = @transform_6, window_bounds = array<i64: 2048, 1024>}]} {
    %get3A = arith.constant 0 : index
    %get3A_0 = arith.constant 0 : index
    %get3A_1 = vector.load %arg2[%get3A, %get3A_0] : memref<2048x1024xf32, #tpu.memory_space<vmem>>, vector<2048x1024xf32>
    %get3A_2 = arith.constant 0 : index
    %get3A_3 = arith.constant 0 : index
    %get3A_4 = vector.load %arg4[%get3A_2, %get3A_3] : memref<2x1024xf32, #tpu.memory_space<vmem>>, vector<1x1024xf32>
    %get3A_5 = arith.constant 1 : index
    %get3A_6 = arith.constant 0 : index
    %get3A_7 = vector.load %arg4[%get3A_5, %get3A_6] : memref<2x1024xf32, #tpu.memory_space<vmem>>, vector<1x1024xf32>
    %get3A_8 = arith.constant 0 : index
    %get3A_9 = arith.constant 0 : index
    %get3A_10 = vector.load %arg3[%get3A_8, %get3A_9] : memref<2048x1xf32, #tpu.memory_space<vmem>>, vector<2048x1xf32>
    %add3A = vector.broadcast %get3A_4 : vector<1x1024xf32> to vector<2048x1024xf32>
    %add3A_11 = arith.addf %get3A_1, %add3A : vector<2048x1024xf32>
    %sub3A = arith.subf %get3A_7, %get3A_4 : vector<1x1024xf32>
    %mul3A = vector.broadcast %get3A_10 : vector<2048x1xf32> to vector<2048x1024xf32>
    %mul3A_12 = vector.broadcast %sub3A : vector<1x1024xf32> to vector<2048x1024xf32>
    %mul3A_13 = arith.mulf %mul3A, %mul3A_12 : vector<2048x1024xf32>
    %add3A_14 = arith.addf %add3A_11, %mul3A_13 : vector<2048x1024xf32>
    %reduce_sum3A = arith.constant dense<0.000000e+00> : vector<2048xf32>
    %reduce_sum3A_15 = vector.multi_reduction <add>, %add3A_14, %reduce_sum3A [1] : vector<2048x1024xf32> to vector<2048xf32>
    %broadcast_in_dim3A = vector.shape_cast %reduce_sum3A_15 : vector<2048xf32> to vector<2048x1xf32>
    %mul3A_16 = arith.mulf %add3A_14, %add3A_14 : vector<2048x1024xf32>
    %reduce_sum3A_17 = arith.constant dense<0.000000e+00> : vector<2048xf32>
    %reduce_sum3A_18 = vector.multi_reduction <add>, %mul3A_16, %reduce_sum3A_17 [1] : vector<2048x1024xf32> to vector<2048xf32>
    %broadcast_in_dim3A_19 = vector.shape_cast %reduce_sum3A_18 : vector<2048xf32> to vector<2048x1xf32>
    %mul3A_20 = arith.constant 9.765625E-4 : f32
    %mul3A_21 = vector.broadcast %mul3A_20 : f32 to vector<2048x1xf32>
    %mul3A_22 = arith.mulf %broadcast_in_dim3A, %mul3A_21 : vector<2048x1xf32>
    %mul3A_23 = arith.constant 9.765625E-4 : f32
    %mul3A_24 = vector.broadcast %mul3A_23 : f32 to vector<2048x1xf32>
    %mul3A_25 = arith.mulf %broadcast_in_dim3A_19, %mul3A_24 : vector<2048x1xf32>
    %mul3A_26 = arith.mulf %mul3A_22, %mul3A_22 : vector<2048x1xf32>
    %sub3A_27 = arith.subf %mul3A_25, %mul3A_26 : vector<2048x1xf32>
    %add3A_28 = arith.constant 9.99999996E-13 : f32
    %add3A_29 = vector.broadcast %add3A_28 : f32 to vector<2048x1xf32>
    %add3A_30 = arith.addf %sub3A_27, %add3A_29 : vector<2048x1xf32>
    %rsqrt3A = math.rsqrt %add3A_30 : vector<2048x1xf32>
    %get3A_31 = arith.constant 0 : index
    %get3A_32 = arith.constant 0 : index
    %get3A_33 = vector.load %arg5[%get3A_31, %get3A_32] : memref<1x1024xf32, #tpu.memory_space<vmem>>, vector<1x1024xf32>
    %mul3A_34 = vector.broadcast %rsqrt3A : vector<2048x1xf32> to vector<2048x1024xf32>
    %mul3A_35 = vector.broadcast %get3A_33 : vector<1x1024xf32> to vector<2048x1024xf32>
    %mul3A_36 = arith.mulf %mul3A_34, %mul3A_35 : vector<2048x1024xf32>
    %get3A_37 = arith.constant 0 : index
    %get3A_38 = arith.constant 0 : index
    %get3A_39 = vector.load %arg6[%get3A_37, %get3A_38] : memref<1x1024xf32, #tpu.memory_space<vmem>>, vector<1x1024xf32>
    %mul3A_40 = vector.broadcast %mul3A_22 : vector<2048x1xf32> to vector<2048x1024xf32>
    %mul3A_41 = arith.mulf %mul3A_40, %mul3A_36 : vector<2048x1024xf32>
    %sub3A_42 = vector.broadcast %get3A_39 : vector<1x1024xf32> to vector<2048x1024xf32>
    %sub3A_43 = arith.subf %sub3A_42, %mul3A_41 : vector<2048x1024xf32>
    %mul3A_44 = arith.mulf %add3A_14, %mul3A_36 : vector<2048x1024xf32>
    %add3A_45 = arith.addf %mul3A_44, %sub3A_43 : vector<2048x1024xf32>
    %swap3A = arith.constant 0 : index
    %swap3A_46 = arith.constant 0 : index
    %swap3A_47 = vector.load %arg7[%swap3A, %swap3A_46] : memref<2048x1024xf32, #tpu.memory_space<vmem>>, vector<2048x1024xf32>
    tpu.vector_store %arg7[%swap3A, %swap3A_46], %add3A_45 {strides = array<i32>} : memref<2048x1024xf32, #tpu.memory_space<vmem>>, vector<2048x1024xf32>,
    return
  }
  func.func @transform_1(%arg0: i32) -> (i32, i32) {
    %c0_i32 = arith.constant 0 : i32
    %c0_i32_0 = arith.constant 0 : i32
    return %arg0, %c0_i32 : i32, i32
  }
  func.func @transform_2(%arg0: i32) -> (i32, i32) {
    %add3A = arith.constant 2 : i32
    %add3A_0 = arith.addi %add3A, %arg0 : i32
    %c0_i32 = arith.constant 0 : i32
    %c0_i32_1 = arith.constant 0 : i32
    return %add3A_0, %c0_i32 : i32, i32
  }
  func.func @transform_3(%arg0: i32) -> (i32, i32) {
    %c0_i32 = arith.constant 0 : i32
    %c0_i32_0 = arith.constant 0 : i32
    %c0_i32_1 = arith.constant 0 : i32
    return %c0_i32, %c0_i32_0 : i32, i32
  }
  func.func @transform_4(%arg0: i32) -> (i32, i32) {
    %c0_i32 = arith.constant 0 : i32
    %c0_i32_0 = arith.constant 0 : i32
    %c0_i32_1 = arith.constant 0 : i32
    return %c0_i32, %c0_i32_0 : i32, i32
  }
  func.func @transform_5(%arg0: i32) -> (i32, i32) {
    %c0_i32 = arith.constant 0 : i32
    %c0_i32_0 = arith.constant 0 : i32
    %c0_i32_1 = arith.constant 0 : i32
    return %c0_i32, %c0_i32_0 : i32, i32
  }
  func.func @transform_6(%arg0: i32) -> (i32, i32) {
    %add3A = arith.constant 2 : i32
    %add3A_0 = arith.addi %add3A, %arg0 : i32
    %c0_i32 = arith.constant 0 : i32
    %c0_i32_1 = arith.constant 0 : i32
    return %add3A_0, %c0_i32 : i32, i32
  }
}

</mosaic_0001>

<sc_bundles>
// kernel: kernel.6.cloned.1.call-start
scs
__scs_entry_jumppad:
0x0: {  	(pc) =	sbr.rel $0x88, $3  }
0x1: {  	(tag) =	ssettag $0x0;
	lr =	simm.s32 $0x1  }
0x2: {  	[smem:$0x3F9B] =	sst lr;
	_ =	strace $0xD0000000  }
0x3: {  	_ = 	snop  }
0x4: {  	_ = 	snop  }
0x5: {  	_ = 	snop  }
0x6: {  	_ = 	snop  }
0x7: {  	_ = 	snop  }
__scs_overlays_trampoline_lowered:
0x8: {  	[smem:$0x3FAA] =	sst s0  }
0x9: {  	[smem:$0x3FAB] =	sst s1  }
0xa: {  	[smem:$0x3FAC] =	sst s2  }
0xb: {  	[smem:$0x3FAD] =	sst s3  }
0xc: {  	[smem:$0x3FAE] =	sst s4  }
0xd: {  	[smem:$0x3FAF] =	sst s5  }
0xe: {  	[smem:$0x3FB0] =	sst s6  }
0xf: {  	[smem:$0x3FB1] =	sst s7  }
0x10: {  	[smem:$0x3FB2] =	sst s8  }
0x11: {  	[smem:$0x3FB3] =	sst s9;
	s0 =	simm.s32 @!p0 $0x0  }
0x12: {  	s1 =	sld [smem:$0x3F99];
	s0 =	simm.s32 @p0 $0x1  }
0x13: {  	[smem:$0x3FB4] =	sst s0;
	s0 =	simm.s32 @!p1 $0x0  }
0x14: {  	s2 =	sld [smem:$0x3F98];
	s0 =	simm.s32 @p1 $0x1  }
0x15: {  	[smem:$0x3FB5] =	sst s0;
	s0 =	simm.s32 @!p2 $0x0  }
0x16: {  	s3 =	sld [smem:$0x3FDB];
	s0 =	simm.s32 @p2 $0x1  }
0x17: {  	s4 =	simm.s32 $0x1BF5;
	[smem:$0x3FB7] =	sst s0  }
0x18: {  	s0 =	sld [smem:$0x3F9A];
	_ =	swait.ge [sflag:s4], $0x0  }
0x19: {  	s7 =	sld [smem:$0x3F9B]  }
0x1a: {  	s8 =	sadd.s32 $0xFFFFE003, lr  }
0x1b: {  	s9 =	sadd.s32 $0xFFFFFEF7, lr;
	s5 =	simm.s32 $0xFFFFFFFF;
	p2 =	slt.u32 s8, $0xFFFFF086  }
0x1c: {  	p1 =	slt.u32 s9, $0xF7A;
	s5 =	simm.s32 @!p2 $0x0  }
0x1d: {  	s5 =	simm.s32 @p1 $0x1;
	p0 =	seq.s32 s7, s2  }
0x1e: {  	s7 =	smul.u32 @!p0 $0xF7A, s2;
	p2 =	seq.s32 @!p0 s5, $0x0  }
0x1f: {  	s9 =	smul.u32 $0xF7A, s1;
	s8 =	simm.s32 @!p0 $0x1BF5;
	p2 =	por !p2, p0  }
0x20: {  	[sflag:s8] =	ssyncset.s32 @!p0 $0xFFFFF086;
	s6 =	sadd.s32 @!p0 s3, s7;
	s7 =	simm.s32 @!p0 $0x108  }
0x21: {  	s3 =	sadd.s32 s3, s9;
	s6 =	sadd.s32 @!p0 $0x88, s6;
	s7 =	simm.s32 @p2 $0x1082  }
0x22: {  	[simem:s7], [sflag:s8] =	dma.local @!p0 [hbm:s6], $0xF7A  }
0x23: {  	s9 =	sor.u32 $0xD0000000, s2;
	s6 =	simm.s32 $0x108;
	_ =	swait.ge @!p0 [sflag:s8], $0x0  }
0x24: {  	s3 =	sadd.s32 $0x88, s3;
	s6 =	simm.s32 @!p1 $0x1082;
	[sflag:s4] =	ssyncset.s32 $0xFFFFF086  }
0x25: {  	[simem:s6], [sflag:s4] =	dma.local [hbm:s3], $0xF7A  }
0x26: {  	[smem:$0x3F9B] =	sst s1;
	(tag) =	ssettag s2;
	_ =	strace s9  }
0x27: {  	s1 =	sld [smem:$0x3FAB]  }
0x28: {  	s2 =	sld [smem:$0x3FAC]  }
0x29: {  	s4 =	sld [smem:$0x3FAE]  }
0x2a: {  	p0 =	seq.s32 s5, $0x0;
	s5 =	sld [smem:$0x3FAF]  }
0x2b: {  	s6 =	sld [smem:$0x3FB0]  }
0x2c: {  	s7 =	sld [smem:$0x3FB1]  }
0x2d: {  	s3 =	simm.s32 $0x108;
	s8 =	sld [smem:$0x3FB2]  }
0x2e: {  	s3 =	simm.s32 @!p0 $0x1082;
	s9 =	sld [smem:$0x3FB3]  }
0x2f: {  	lr =	sadd.s32 s0, s3;
	s0 =	sld [smem:$0x3FAA]  }
0x30: {  	s3 =	sld [smem:$0x3FAD]  }
0x31: {  	[smem:$0x3FB6] =	sst s10  }
0x32: {  	s10 =	sld [smem:$0x3FB4];
	_ =	sdelay $0x3  }
0x33: {  	p0 =	seq.s32 s10, $0x1;
	s10 =	sld [smem:$0x3FB6];
	_ =	sdelay $0x3  }
0x34: {  	[smem:$0x3FB6] =	sst s10  }
0x35: {  	s10 =	sld [smem:$0x3FB5];
	_ =	sdelay $0x3  }
0x36: {  	p1 =	seq.s32 s10, $0x1;
	s10 =	sld [smem:$0x3FB6];
	_ =	sdelay $0x3  }
0x37: {  	[smem:$0x3FB6] =	sst s10  }
0x38: {  	s10 =	sld [smem:$0x3FB7]  }
0x39: {  	_ = 	snop;
	(pc) =	sbr.ind lr, $3  }
0x3a: {  	_ = 	snop  }
0x3b: {  	_ = 	snop  }
0x3c: {  	p2 =	seq.s32 s10, $0x1;
	s10 =	sld [smem:$0x3FB6]  }
0x3d: {  	_ =	shalt  }
0x3e: {  	_ =	shalt  }
0x3f: {  	_ =	shalt  }
0x40: {  	_ =	shalt  }
0x41: {  	_ =	shalt  }
0x42: {  	_ =	shalt  }
0x43: {  	_ =	shalt  }
0x44: {  	_ =	shalt  }
0x45: {  	_ =	shalt  }
0x46: {  	_ =	shalt  }
0x47: {  	_ =	shalt  }
0x48: {  	_ =	shalt  }
0x49: {  	_ =	shalt  }
0x4a: {  	_ =	shalt  }
0x4b: {  	_ =	shalt  }
0x4c: {  	_ =	shalt  }
0x4d: {  	_ =	shalt  }
0x4e: {  	_ =	shalt  }
0x4f: {  	_ =	shalt  }
0x50: {  	_ =	shalt  }
0x51: {  	_ =	shalt  }
0x52: {  	_ =	shalt  }
0x53: {  	_ =	shalt  }
0x54: {  	_ =	shalt  }
0x55: {  	_ =	shalt  }
0x56: {  	_ =	shalt  }
0x57: {  	_ =	shalt  }
0x58: {  	_ =	shalt  }
0x59: {  	_ =	shalt  }
0x5a: {  	_ =	shalt  }
0x5b: {  	_ =	shalt  }
0x5c: {  	_ =	shalt  }
0x5d: {  	_ =	shalt  }
0x5e: {  	_ =	shalt  }
0x5f: {  	_ =	shalt  }
0x60: {  	_ =	shalt  }
0x61: {  	_ =	shalt  }
0x62: {  	_ =	shalt  }
0x63: {  	_ =	shalt  }
0x64: {  	_ =	shalt  }
0x65: {  	_ =	shalt  }
0x66: {  	_ =	shalt  }
0x67: {  	_ =	shalt  }
0x68: {  	_ =	shalt  }
0x69: {  	_ =	shalt  }
0x6a: {  	_ =	shalt  }
0x6b: {  	_ =	shalt  }
0x6c: {  	_ =	shalt  }
0x6d: {  	_ =	shalt  }
0x6e: {  	_ =	shalt  }
0x6f: {  	_ =	shalt  }
0x70: {  	_ =	shalt  }
0x71: {  	_ =	shalt  }
0x72: {  	_ =	shalt  }
0x73: {  	_ =	shalt  }
0x74: {  	_ =	shalt  }
0x75: {  	_ =	shalt  }
0x76: {  	_ =	shalt  }
0x77: {  	_ =	shalt  }
0x78: {  	_ =	shalt  }
0x79: {  	_ =	shalt  }
0x7a: {  	_ =	shalt  }
0x7b: {  	_ =	shalt  }
0x7c: {  	_ =	shalt  }
0x7d: {  	_ =	shalt  }
0x7e: {  	_ =	shalt  }
0x7f: {  	_ =	shalt  }
0x80: {  	_ =	shalt  }
0x81: {  	_ =	shalt  }
0x82: {  	_ =	shalt  }
0x83: {  	_ =	shalt  }
0x84: {  	_ =	shalt  }
0x85: {  	_ =	shalt  }
0x86: {  	_ =	shalt  }
0x87: {  	_ =	shalt  }
.Lfunc_end0:
.L_simem_size_0:
called_computation_lowered:
.L_overlay_start_0:
0x88: {  	s2 =	sld [smem:$0x3FD9]  }
0x89: {  	s3 =	sld [smem:$0x3FFE];
	_ =	sdelay $0x1  }
0x8a: {  	s1 =	srdreg.scid  }
0x8b: {  	s0 =	sand.u32 $0x1, s1  }
0x8c: {  	s17 =	sshll.u32 s0, $0xA;
	s2 =	sadd.s32 s3, s2  }
0x8d: {  	s2 =	sadd.s32 s2, s17  }
0x8e: {  	[smem:$0x3FC2] =	sst s2  }
0x8f: {  	_ = 	snop  }
0x90: {  	s2 =	sld [smem:$0x3FC7]  }
0x91: {  	s18 =	sld [smem:$0x3FD0];
	(tm) =	ssettm $0x1  }
0x92: {  	s4 =	sld [smem:$0x3FFB];
	_ =	sdelay $0x3  }
0x93: {  	_ =	strace s4  }
0x94: {  	s4 =	sld [smem:$0x3FFC];
	_ =	sdelay $0x3  }
0x95: {  	_ =	strace s4  }
0x96: {  	s4 =	sld [smem:$0x3FFD];
	_ =	sdelay $0x3  }
0x97: {  	_ =	strace s4  }
0x98: {  	_ =	strace $0x8FFFFFFF  }
0x99: {  	s19 =	sld [smem:$0x3FDB];
	_ =	sdelay $0x1  }
0x9a: {  	s5 =	simm.s32 $_scs_section_size  }
0x9b: {  	s6 =	simm.s32 $_size__tile_overlayer_lowered;
	s7 =	simm.s32 $_tile_overlayer_lowered  }
0x9c: {  	s22 =	simm.s32 $0x1BFF;
	s21 =	sshll.u32 s7, $0x1;
	s4 =	sadd.s32 s5, s19  }
0x9d: {  	s8 =	simm.s32 $0x0;
	s20 =	sshll.u32 s6, $0x1;
	s6 =	sadd.s32 s21, s4  }
0x9e: {  	[timem:s8], [sflag:s22] =	dma.local [hbm:s6], s20  }
0x9f: {  	_ =	swait.ge [sflag:s22], s20  }
0xa0: {  	s5 =	ssub.s32 $0x0, s20;
	[sflag:s22] =	ssyncset.done $0x0  }
0xa1: {  	[sflag:s22] =	ssyncadd.s32 s5;
	_ =	sdelay $0x1  }
0xa2: {  	s23 =	simm.s32 $0x1B8B  }
0xa3: {  	_ =	swait.ge [sflag:s23], $0x1  }
0xa4: {  	[sflag:s23] =	ssyncset.done $0x0  }
0xa5: {  	s25 =	simm.s32 $0x1B8E;
	s24 =	sld [smem:$0x3FFE];
	[sflag:s23] =	ssyncadd.s32 $0xFFFFFFFF  }
0xa6: {  	s26 =	simm.s32 $execute0_lowered;
	[smem:$0x3FD2] =	sst s25  }
0xa7: {  	s6 =	sshll.u32 s26, $0x1;
	_ =	strace $0x80000046;
	[dreg:$0x1] =	wrdreg $0xFFFFFFFF  }
0xa8: {  	s28 =	simm.s32 $_size_execute0_lowered;
	s4 =	sadd.s32 s4, s6;
	[dreg:$0x0] =	wrdreg $0x0  }
0xa9: {  	s6 =	sshll.u32 s28, $0x1;
	[dreg:$0x2] =	wrdreg s4  }
0xaa: {  	[dreg:$0x3] =	wrdreg s6  }
0xab: {  	[dreg:$0x4] =	wrdreg $0xC0  }
0xac: {  	_ =	task [dreg:s8], $0x5FFFF  }
0xad: {  	[dreg:$0x1] =	wrdreg $0xFFFFFFFF  }
0xae: {  	[dreg:$0x0] =	wrdreg $0x60  }
0xaf: {  	[dreg:$0x2] =	wrdreg s2  }
0xb0: {  	[dreg:$0x3] =	wrdreg s24  }
0xb1: {  	[dreg:$0x4] =	wrdreg s18  }
0xb2: {  	[dreg:$0x5] =	wrdreg $0x9  }
0xb3: {  	_ =	task.clear_ibuf [dreg:s8], $0x6FFFF;
	_ =	strace $0x90000046  }
0xb4: {  	s29 =	simm.s32 $0x9;
	_ =	strace $0x80000048  }
0xb5: {  	_ =	swait.ge [sflag:s29], $0x1  }
0xb6: {  	[sflag:s29] =	ssyncadd.s32 $0xFFFFFFFF  }
0xb7: {  	_ =	strace $0x90000048  }
0xb8: {  	_ =	sfence  }
0xb9: {  	s30 =	sld [smem:$0x0];
	_ =	sdelay $0x2  }
0xba: {  	s31 =	sshll.u32 s1, $0xD;
	s1 =	sshrl.u32 s1, $0x2  }
0xbb: {  	s3 =	sand.u32 $0x4000, s31;
	s1 =	sadd.s32 s1, s30  }
0xbc: {  	s0 =	sor.u32 s3, s0;
	s1 =	sshll.u32 s1, $0x11  }
0xbd: {  	s0 =	sor.u32 s1, s0  }
0xbe: {  	s0 =	sadd.s32 $0x8F2B, s0  }
0xbf: {  	[sflag:s0] =	ssyncadd.remote.s32 $0x1  }
0xc0: {  	_ =	sfence.sel $0xFFFF  }
0xc1: {  	[dreg:$0x0] =	wrdreg $0xFFFFFFFF;
	(pc) =	sbr.abs _section_cstart, $3  }
0xc2: {  	[dreg:$0x1] =	wrdreg $0xFFFFFFFF  }
0xc3: {  	_ =	task.clear_ibuf [dreg:s8], $0x2FFFF;
	_ =	strace $0x9FFFFFFF  }
0xc4: {  	(tm) =	ssettm $0x7FFFFFFF  }
0xc5: {  	_ =	shalt  }
tec
execute0_lowered:
.L_overlay_start_1:
0x0: {  	(tag) =	ssettag $0x1  }
0x1: {  	s1 =	rddreg [dreg:$0x0]  }
0x2: {  	s2 =	rddreg [dreg:$0x1];
	s3 =	stileid.u32  }
0x3: {  	s4 =	rddreg [dreg:$0x2];
	s5 =	sshll.u32 s3, $0x8;
	s3 =	simm.s32 $0x0  }
0x4: {  	s15 =	simm.s32 $0x80;
	[smem:$0x7FF] =	sst s3  }
0x5: {  	s16 =	simm.s32 $0x100;
	_ =	strace $0x80000047;
	[dreg:$0xc] =	wrdreg s15  }
0x6: {  	s17 =	simm.s32 $0x180;
	[dreg:$0xd] =	wrdreg s16  }
0x7: {  	s0 =	srdreg.scid;
	s18 =	simm.s32 $0x8A00;
	[dreg:$0xe] =	wrdreg s17  }
0x8: {  	s19 =	simm.s32 $0x9200;
	s20 =	simm.s32 $0x9A00;
	[dreg:$0xf] =	wrdreg s18  }
0x9: {  	s21 =	simm.s32 $0xA200;
	s22 =	simm.s32 $0xAA00;
	[dreg:$0x10] =	wrdreg s19  }
0xa: {  	s23 =	simm.s32 $0xB200;
	s28 =	simm.s32 $0x1;
	[dreg:$0x11] =	wrdreg s20  }
0xb: {  	s29 =	simm.s32 $0x4;
	s30 =	simm.s32 $0x8200;
	[dreg:$0x12] =	wrdreg s21  }
0xc: {  	s31 =	simm.s32 $0x10200;
	s0 =	sand.u32 $0x1, s0;
	[dreg:$0x13] =	wrdreg s22  }
0xd: {  	s2 =	sadd.s32 $0x1400, s2;
	[dreg:$0x14] =	wrdreg s23;
	s15 =	simm.s32 $0x12200  }
0xe: {  	s6 =	sshll.u32 s0, $0x7;
	s16 =	simm.s32 $0x12A00;
	[smem:$0x7F2] =	sst s15  }
0xf: {  	s0 =	ssub.s32 $0x2, s0;
	s17 =	simm.s32 $0x13200;
	[smem:$0x7F3] =	sst s16  }
0x10: {  	s5 =	sor.u32 s6, s5;
	s18 =	simm.s32 $0x13A00;
	[smem:$0x7F4] =	sst s17  }
0x11: {  	s19 =	simm.s32 $0x14200;
	s20 =	simm.s32 $0x14A00;
	[smem:$0x7F5] =	sst s18  }
0x12: {  	s21 =	simm.s32 $0x15200;
	s22 =	simm.s32 $0x15A00;
	[smem:$0x7F6] =	sst s19  }
0x13: {  	s23 =	simm.s32 $0x16200;
	s6 =	sshrl.u32 s5, $0x3;
	[smem:$0x7F7] =	sst s20  }
0x14: {  	s7 =	sor.u32 $0x20, s5;
	s8 =	sor.u32 $0x40, s5;
	[smem:$0x7F8] =	sst s21  }
0x15: {  	s10 =	sor.u32 $0x60, s5;
	s5 =	sshll.u32 s5, $0x7;
	[smem:$0x7F9] =	sst s22  }
0x16: {  	[smem:$0x7FA] =	sst s23;
	s15 =	simm.s32 $0x2200;
	s6 =	sadd.s32 s2, s6  }
0x17: {  	s24 =	sshrl.u32 s7, $0x3;
	s9 =	sshrl.u32 s8, $0x3;
	s26 =	sshrl.u32 s10, $0x3  }
0x18: {  	s11 =	sshll.u32 s8, $0x7;
	s8 =	simm.s32 $0xE200;
	[dreg:$0x4] =	wrdreg s6  }
0x19: {  	s13 =	sshll.u32 s10, $0x7;
	s10 =	simm.s32 $0xF200;
	[dreg:$0x1a] =	wrdreg s8  }
0x1a: {  	s16 =	simm.s32 $0x2A00;
	s6 =	sadd.s32 s2, s24;
	[dreg:$0x1c] =	wrdreg s10  }
0x1b: {  	s17 =	simm.s32 $0x3200;
	s25 =	sadd.s32 s2, s9;
	[dreg:$0x5] =	wrdreg s6  }
0x1c: {  	s7 =	sshll.u32 s7, $0x7;
	s2 =	sadd.s32 s2, s26;
	[dreg:$0x6] =	wrdreg s25  }
0x1d: {  	s18 =	simm.s32 $0x3A00;
	s9 =	sadd.s32 s4, s7;
	[dreg:$0x7] =	wrdreg s2  }
0x1e: {  	s19 =	simm.s32 $0x4200;
	s12 =	sadd.s32 s4, s11;
	[dreg:$0x9] =	wrdreg s9  }
0x1f: {  	s20 =	simm.s32 $0x4A00;
	s14 =	sadd.s32 s4, s13;
	[dreg:$0xa] =	wrdreg s12  }
0x20: {  	s21 =	simm.s32 $0x5200;
	s24 =	simm.s32 $0xBA00;
	[dreg:$0xb] =	wrdreg s14  }
0x21: {  	s22 =	simm.s32 $0x5A00;
	s26 =	simm.s32 $0xC200;
	[dreg:$0x15] =	wrdreg s24  }
0x22: {  	s23 =	simm.s32 $0x6200;
	s7 =	simm.s32 $0xDA00;
	[dreg:$0x16] =	wrdreg s26  }
0x23: {  	s8 =	simm.s32 $0x7;
	s11 =	simm.s32 $0xFA00;
	[dreg:$0x19] =	wrdreg s7  }
0x24: {  	s13 =	simm.s32 $0x11200;
	s6 =	sadd.s32 s4, s5;
	[dreg:$0x1d] =	wrdreg s11  }
0x25: {  	s25 =	sshrl.u32 s0, $0x1;
	s5 =	simm.s32 $0xCA00;
	[dreg:$0x1f] =	wrdreg s13  }
0x26: {  	s4 =	sadd.s32 $0x100, s1;
	s9 =	simm.s32 $0xEA00;
	[dreg:$0x8] =	wrdreg s6  }
0x27: {  	s12 =	simm.s32 $0x10A00;
	s14 =	simm.s32 $0x11A00;
	[dreg:$0x17] =	wrdreg s5  }
0x28: {  	s24 =	simm.s32 $0x16A00;
	s26 =	simm.s32 $0x17A00;
	[dreg:$0x1b] =	wrdreg s9  }
0x29: {  	s2 =	simm.s32 $0x5;
	s13 =	simm.s32 $0x1200;
	[dreg:$0x1e] =	wrdreg s12  }
0x2a: {  	s0 =	ssub.s32 s0, s25;
	s6 =	simm.s32 $0xD200;
	[smem:$0x7F1] =	sst s14  }
0x2b: {  	s5 =	sadd.s32 $0x200, s1;
	s9 =	simm.s32 $0x200;
	[smem:$0x7FB] =	sst s24  }
0x2c: {  	s25 =	simm.s32 $0x17200;
	[smem:$0x7FD] =	sst s26;
	s12 =	simm.s32 $0xA00  }
0x2d: {  	v2 =	vlaneseq.u32;
	s14 =	simm.s32 $0x1A00;
	s24 =	simm.s32 $0x6A00;
	s26 =	simm.s32 $0x7A00  }
0x2e: {  	vm0 =	vmmov $0xffff;
	v1 =	vshrl.u32 v2, $0x3;
	[dreg:$0x18] =	wrdreg s6;
	s6 =	sadd.s32 $0x300, s1;
	s7 =	smax.u32 s0, $0x1  }
0x2f: {  	v0 =	vand.u32 $0x7, v2;
	v2 =	vor.u32 $0x8, v2;
	v1 =	vmul.u32 $0x8, v1;
	[smem:$0x7FC] =	sst s25;
	s0 =	simm.s32 $0x6;
	s25 =	simm.s32 $0x7200  }
.LBB2_1:
0x30: {  	s10 =	rddreg [dreg:$0x4]  }
0x31: {  	[tilespmem:s3], [sflag:$0x7] =	stream.linear.gather [hbm4b:s10+s3], $0x20, $0x38;
	[tilespmem:$0x18200] =	vst v63  }
0x32: {  	_ =	swait.ge [sflag:s8], $0x20  }
0x33: {  	s10 =	rddreg [dreg:$0x5];
	[sflag:s8] =	ssyncset.done $0x0  }
0x34: {  	s11 =	rddreg [dreg:$0xc];
	[sflag:s8] =	ssyncadd.s32 $0xFFFFFFE0  }
0x35: {  	[tilespmem:s11], [sflag:$0x7] =	stream.linear.gather [hbm4b:s10+s3], $0x20, $0x38;
	[tilespmem:$0x18200] =	vst v63  }
0x36: {  	_ =	swait.ge [sflag:s8], $0x20  }
0x37: {  	s10 =	rddreg [dreg:$0x6];
	[sflag:s8] =	ssyncset.done $0x0  }
0x38: {  	s11 =	rddreg [dreg:$0xd];
	[sflag:s8] =	ssyncadd.s32 $0xFFFFFFE0  }
0x39: {  	[tilespmem:s11], [sflag:$0x7] =	stream.linear.gather [hbm4b:s10+s3], $0x20, $0x38;
	[tilespmem:$0x18200] =	vst v63  }
0x3a: {  	_ =	swait.ge [sflag:s8], $0x20  }
0x3b: {  	s10 =	rddreg [dreg:$0x7];
	[sflag:s8] =	ssyncset.done $0x0  }
0x3c: {  	s11 =	rddreg [dreg:$0xe];
	[sflag:s8] =	ssyncadd.s32 $0xFFFFFFE0  }
0x3d: {  	[tilespmem:s11], [sflag:$0x7] =	stream.linear.gather [hbm4b:s10+s3], $0x20, $0x38;
	[tilespmem:$0x18200] =	vst v63  }
0x3e: {  	_ =	swait.ge [sflag:s8], $0x20  }
0x3f: {  	[sflag:s8] =	ssyncset.done $0x0  }
0x40: {  	[sflag:s8] =	ssyncadd.s32 $0xFFFFFFE0  }
0x41: {  	v3 =	vld [tilespmem:$0x0];
	_ =	sdelay $0x4  }
0x42: {  	v4 =	vshll.u32 v3, $0x3  }
0x43: {  	v3 =	vand.u32 $0x7, v3;
	v4 =	vand.u32 $0xFFFFFFC0, v4  }
0x44: {  	v3 =	vor.u32 v3, v4  }
0x45: {  	v4 =	vperm.xlane v3, v0;
	_ =	sdelay $0x1  }
0x46: {  	v4 =	vadd.s32 v1, v4;
	_ =	sdelay $0x4  }
0x47: {  	[tilespmem:s9], [sflag:$0x1] =	stream.indirect_vreg.gather [hbm4b:s1+s3], $0x80, v4, vm0, $0xb8;
	[tilespmem:$0x18200] =	vst v63  }
0x48: {  	v3 =	vperm.xlane v3, v2  }
0x49: {  	[tilespmem:s12], [sflag:$0x1] =	stream.indirect_vreg.gather [hbm4b:s4+s3], $0x80, v4, vm0, $0xb8;
	[tilespmem:$0x18200] =	vst v63  }
0x4a: {  	v3 =	vadd.s32 v1, v3  }
0x4b: {  	[tilespmem:s13], [sflag:$0x1] =	stream.indirect_vreg.gather [hbm4b:s5+s3], $0x80, v4, vm0, $0xb8;
	[tilespmem:$0x18200] =	vst v63  }
0x4c: {  	_ = 	snop  }
0x4d: {  	[tilespmem:s14], [sflag:$0x1] =	stream.indirect_vreg.gather [hbm4b:s6+s3], $0x80, v4, vm0, $0xb8;
	[tilespmem:$0x18200] =	vst v63  }
0x4e: {  	_ = 	snop  }
0x4f: {  	[tilespmem:s15], [sflag:$0x1] =	stream.indirect_vreg.gather [hbm4b:s1+s3], $0x80, v3, vm0, $0xb8;
	[tilespmem:$0x18200] =	vst v63  }
0x50: {  	_ = 	snop  }
0x51: {  	[tilespmem:s16], [sflag:$0x1] =	stream.indirect_vreg.gather [hbm4b:s4+s3], $0x80, v3, vm0, $0xb8;
	[tilespmem:$0x18200] =	vst v63  }
0x52: {  	_ = 	snop  }
0x53: {  	[tilespmem:s17], [sflag:$0x1] =	stream.indirect_vreg.gather [hbm4b:s5+s3], $0x80, v3, vm0, $0xb8;
	[tilespmem:$0x18200] =	vst v63  }
0x54: {  	_ = 	snop  }
0x55: {  	[tilespmem:s18], [sflag:$0x1] =	stream.indirect_vreg.gather [hbm4b:s6+s3], $0x80, v3, vm0, $0xb8;
	[tilespmem:$0x18200] =	vst v63  }
0x56: {  	v3 =	vld [tilespmem:$0x10];
	_ =	sdelay $0x4  }
0x57: {  	v57 =	vshll.u32 v3, $0x3  }
0x58: {  	v3 =	vand.u32 $0x7, v3;
	v4 =	vand.u32 $0xFFFFFFC0, v57  }
0x59: {  	v3 =	vor.u32 v3, v4  }
0x5a: {  	v4 =	vperm.xlane v3, v0;
	_ =	sdelay $0x1  }
0x5b: {  	v4 =	vadd.s32 v1, v4;
	_ =	sdelay $0x4  }
0x5c: {  	[tilespmem:s19], [sflag:$0x1] =	stream.indirect_vreg.gather [hbm4b:s1+s3], $0x80, v4, vm0, $0xb8;
	[tilespmem:$0x18200] =	vst v63  }
0x5d: {  	v3 =	vperm.xlane v3, v2  }
0x5e: {  	[tilespmem:s20], [sflag:$0x1] =	stream.indirect_vreg.gather [hbm4b:s4+s3], $0x80, v4, vm0, $0xb8;
	[tilespmem:$0x18200] =	vst v63  }
0x5f: {  	v3 =	vadd.s32 v1, v3  }
0x60: {  	[tilespmem:s21], [sflag:$0x1] =	stream.indirect_vreg.gather [hbm4b:s5+s3], $0x80, v4, vm0, $0xb8;
	[tilespmem:$0x18200] =	vst v63  }
0x61: {  	_ = 	snop  }
0x62: {  	[tilespmem:s22], [sflag:$0x1] =	stream.indirect_vreg.gather [hbm4b:s6+s3], $0x80, v4, vm0, $0xb8;
	[tilespmem:$0x18200] =	vst v63  }
0x63: {  	_ = 	snop  }
0x64: {  	[tilespmem:s23], [sflag:$0x1] =	stream.indirect_vreg.gather [hbm4b:s1+s3], $0x80, v3, vm0, $0xb8;
	[tilespmem:$0x18200] =	vst v63  }
0x65: {  	_ = 	snop  }
0x66: {  	[tilespmem:s24], [sflag:$0x1] =	stream.indirect_vreg.gather [hbm4b:s4+s3], $0x80, v3, vm0, $0xb8;
	[tilespmem:$0x18200] =	vst v63  }
0x67: {  	_ = 	snop  }
0x68: {  	[tilespmem:s25], [sflag:$0x1] =	stream.indirect_vreg.gather [hbm4b:s5+s3], $0x80, v3, vm0, $0xb8;
	[tilespmem:$0x18200] =	vst v63  }
0x69: {  	_ = 	snop  }
0x6a: {  	[tilespmem:s26], [sflag:$0x1] =	stream.indirect_vreg.gather [hbm4b:s6+s3], $0x80, v3, vm0, $0xb8;
	[tilespmem:$0x18200] =	vst v63  }
0x6b: {  	v3 =	vld [tilespmem:$0x80];
	_ =	sdelay $0x4  }
0x6c: {  	v58 =	vshll.u32 v3, $0x3  }
0x6d: {  	v3 =	vand.u32 $0x7, v3;
	v4 =	vand.u32 $0xFFFFFFC0, v58  }
0x6e: {  	v3 =	vor.u32 v3, v4  }
0x6f: {  	v4 =	vperm.xlane v3, v0;
	_ =	sdelay $0x1  }
0x70: {  	v4 =	vadd.s32 v1, v4;
	_ =	sdelay $0x4  }
0x71: {  	[tilespmem:s30], [sflag:$0x2] =	stream.indirect_vreg.gather [hbm4b:s1+s3], $0x80, v4, vm0, $0xb8;
	[tilespmem:$0x18200] =	vst v63  }
0x72: {  	s10 =	rddreg [dreg:$0xf];
	v3 =	vperm.xlane v3, v2  }
0x73: {  	[tilespmem:s10], [sflag:$0x2] =	stream.indirect_vreg.gather [hbm4b:s4+s3], $0x80, v4, vm0, $0xb8;
	[tilespmem:$0x18200] =	vst v63  }
0x74: {  	s11 =	rddreg [dreg:$0x10];
	v3 =	vadd.s32 v1, v3  }
0x75: {  	[tilespmem:s11], [sflag:$0x2] =	stream.indirect_vreg.gather [hbm4b:s5+s3], $0x80, v4, vm0, $0xb8;
	[tilespmem:$0x18200] =	vst v63  }
0x76: {  	s10 =	rddreg [dreg:$0x11]  }
0x77: {  	[tilespmem:s10], [sflag:$0x2] =	stream.indirect_vreg.gather [hbm4b:s6+s3], $0x80, v4, vm0, $0xb8;
	[tilespmem:$0x18200] =	vst v63  }
0x78: {  	s11 =	rddreg [dreg:$0x12]  }
0x79: {  	[tilespmem:s11], [sflag:$0x2] =	stream.indirect_vreg.gather [hbm4b:s1+s3], $0x80, v3, vm0, $0xb8;
	[tilespmem:$0x18200] =	vst v63  }
0x7a: {  	s10 =	rddreg [dreg:$0x13]  }
0x7b: {  	[tilespmem:s10], [sflag:$0x2] =	stream.indirect_vreg.gather [hbm4b:s4+s3], $0x80, v3, vm0, $0xb8;
	[tilespmem:$0x18200] =	vst v63  }
0x7c: {  	s11 =	rddreg [dreg:$0x14]  }
0x7d: {  	[tilespmem:s11], [sflag:$0x2] =	stream.indirect_vreg.gather [hbm4b:s5+s3], $0x80, v3, vm0, $0xb8;
	[tilespmem:$0x18200] =	vst v63  }
0x7e: {  	s10 =	rddreg [dreg:$0x15]  }
0x7f: {  	[tilespmem:s10], [sflag:$0x2] =	stream.indirect_vreg.gather [hbm4b:s6+s3], $0x80, v3, vm0, $0xb8;
	[tilespmem:$0x18200] =	vst v63  }
0x80: {  	v3 =	vld [tilespmem:$0x90];
	_ =	sdelay $0x4  }
0x81: {  	v59 =	vshll.u32 v3, $0x3  }
0x82: {  	v3 =	vand.u32 $0x7, v3;
	v4 =	vand.u32 $0xFFFFFFC0, v59  }
0x83: {  	v3 =	vor.u32 v3, v4  }
0x84: {  	v4 =	vperm.xlane v3, v0;
	_ =	sdelay $0x1  }
0x85: {  	v4 =	vadd.s32 v1, v4;
	_ =	sdelay $0x3  }
0x86: {  	s10 =	rddreg [dreg:$0x16]  }
0x87: {  	[tilespmem:s10], [sflag:$0x2] =	stream.indirect_vreg.gather [hbm4b:s1+s3], $0x80, v4, vm0, $0xb8;
	[tilespmem:$0x18200] =	vst v63  }
0x88: {  	s11 =	rddreg [dreg:$0x17];
	v3 =	vperm.xlane v3, v2  }
0x89: {  	[tilespmem:s11], [sflag:$0x2] =	stream.indirect_vreg.gather [hbm4b:s4+s3], $0x80, v4, vm0, $0xb8;
	[tilespmem:$0x18200] =	vst v63  }
0x8a: {  	v3 =	vadd.s32 v1, v3;
	s10 =	rddreg [dreg:$0x18]  }
0x8b: {  	[tilespmem:s10], [sflag:$0x2] =	stream.indirect_vreg.gather [hbm4b:s5+s3], $0x80, v4, vm0, $0xb8;
	[tilespmem:$0x18200] =	vst v63  }
0x8c: {  	s11 =	rddreg [dreg:$0x19]  }
0x8d: {  	[tilespmem:s11], [sflag:$0x2] =	stream.indirect_vreg.gather [hbm4b:s6+s3], $0x80, v4, vm0, $0xb8;
	[tilespmem:$0x18200] =	vst v63  }
0x8e: {  	s10 =	rddreg [dreg:$0x1a]  }
0x8f: {  	[tilespmem:s10], [sflag:$0x2] =	stream.indirect_vreg.gather [hbm4b:s1+s3], $0x80, v3, vm0, $0xb8;
	[tilespmem:$0x18200] =	vst v63  }
0x90: {  	s11 =	rddreg [dreg:$0x1b]  }
0x91: {  	[tilespmem:s11], [sflag:$0x2] =	stream.indirect_vreg.gather [hbm4b:s4+s3], $0x80, v3, vm0, $0xb8;
	[tilespmem:$0x18200] =	vst v63  }
0x92: {  	s10 =	rddreg [dreg:$0x1c]  }
0x93: {  	[tilespmem:s10], [sflag:$0x2] =	stream.indirect_vreg.gather [hbm4b:s5+s3], $0x80, v3, vm0, $0xb8;
	[tilespmem:$0x18200] =	vst v63  }
0x94: {  	s11 =	rddreg [dreg:$0x1d]  }
0x95: {  	[tilespmem:s11], [sflag:$0x2] =	stream.indirect_vreg.gather [hbm4b:s6+s3], $0x80, v3, vm0, $0xb8;
	[tilespmem:$0x18200] =	vst v63  }
0x96: {  	v3 =	vld [tilespmem:$0x100];
	_ =	sdelay $0x4  }
0x97: {  	v60 =	vshll.u32 v3, $0x3  }
0x98: {  	v3 =	vand.u32 $0x7, v3;
	v4 =	vand.u32 $0xFFFFFFC0, v60  }
0x99: {  	v3 =	vor.u32 v3, v4  }
0x9a: {  	v4 =	vperm.xlane v3, v0;
	_ =	sdelay $0x1  }
0x9b: {  	v4 =	vadd.s32 v1, v4;
	_ =	sdelay $0x3  }
0x9c: {  	s10 =	rddreg [dreg:$0x1e]  }
0x9d: {  	[tilespmem:s31], [sflag:$0x3] =	stream.indirect_vreg.gather [hbm4b:s1+s3], $0x80, v4, vm0, $0xb8;
	[tilespmem:$0x18200] =	vst v63  }
0x9e: {  	s11 =	rddreg [dreg:$0x1f];
	v3 =	vperm.xlane v3, v2  }
0x9f: {  	[tilespmem:s10], [sflag:$0x3] =	stream.indirect_vreg.gather [hbm4b:s4+s3], $0x80, v4, vm0, $0xb8;
	[tilespmem:$0x18200] =	vst v63  }
0xa0: {  	v3 =	vadd.s32 v1, v3;
	s10 =	sld [smem:$0x7F1]  }
0xa1: {  	[tilespmem:s11], [sflag:$0x3] =	stream.indirect_vreg.gather [hbm4b:s5+s3], $0x80, v4, vm0, $0xb8;
	[tilespmem:$0x18200] =	vst v63  }
0xa2: {  	s11 =	sld [smem:$0x7F2]  }
0xa3: {  	[tilespmem:s10], [sflag:$0x3] =	stream.indirect_vreg.gather [hbm4b:s6+s3], $0x80, v4, vm0, $0xb8;
	[tilespmem:$0x18200] =	vst v63  }
0xa4: {  	s10 =	sld [smem:$0x7F3]  }
0xa5: {  	[tilespmem:s11], [sflag:$0x3] =	stream.indirect_vreg.gather [hbm4b:s1+s3], $0x80, v3, vm0, $0xb8;
	[tilespmem:$0x18200] =	vst v63  }
0xa6: {  	s11 =	sld [smem:$0x7F4]  }
0xa7: {  	[tilespmem:s10], [sflag:$0x3] =	stream.indirect_vreg.gather [hbm4b:s4+s3], $0x80, v3, vm0, $0xb8;
	[tilespmem:$0x18200] =	vst v63  }
0xa8: {  	s10 =	sld [smem:$0x7F5]  }
0xa9: {  	[tilespmem:s11], [sflag:$0x3] =	stream.indirect_vreg.gather [hbm4b:s5+s3], $0x80, v3, vm0, $0xb8;
	[tilespmem:$0x18200] =	vst v63  }
0xaa: {  	_ = 	snop  }
0xab: {  	[tilespmem:s10], [sflag:$0x3] =	stream.indirect_vreg.gather [hbm4b:s6+s3], $0x80, v3, vm0, $0xb8;
	[tilespmem:$0x18200] =	vst v63  }
0xac: {  	v3 =	vld [tilespmem:$0x110];
	_ =	sdelay $0x4  }
0xad: {  	v61 =	vshll.u32 v3, $0x3  }
0xae: {  	v3 =	vand.u32 $0x7, v3;
	v4 =	vand.u32 $0xFFFFFFC0, v61  }
0xaf: {  	v3 =	vor.u32 v3, v4  }
0xb0: {  	v4 =	vperm.xlane v3, v0;
	_ =	sdelay $0x1  }
0xb1: {  	v4 =	vadd.s32 v1, v4;
	_ =	sdelay $0x1  }
0xb2: {  	s10 =	sld [smem:$0x7F6];
	_ =	sdelay $0x1  }
0xb3: {  	s11 =	sld [smem:$0x7F7]  }
0xb4: {  	[tilespmem:s10], [sflag:$0x3] =	stream.indirect_vreg.gather [hbm4b:s1+s3], $0x80, v4, vm0, $0xb8;
	[tilespmem:$0x18200] =	vst v63  }
0xb5: {  	v3 =	vperm.xlane v3, v2;
	s10 =	sld [smem:$0x7F8]  }
0xb6: {  	[tilespmem:s11], [sflag:$0x3] =	stream.indirect_vreg.gather [hbm4b:s4+s3], $0x80, v4, vm0, $0xb8;
	[tilespmem:$0x18200] =	vst v63  }
0xb7: {  	v3 =	vadd.s32 v1, v3;
	s11 =	sld [smem:$0x7F9]  }
0xb8: {  	[tilespmem:s10], [sflag:$0x3] =	stream.indirect_vreg.gather [hbm4b:s5+s3], $0x80, v4, vm0, $0xb8;
	[tilespmem:$0x18200] =	vst v63  }
0xb9: {  	s10 =	sld [smem:$0x7FA]  }
0xba: {  	[tilespmem:s11], [sflag:$0x3] =	stream.indirect_vreg.gather [hbm4b:s6+s3], $0x80, v4, vm0, $0xb8;
	[tilespmem:$0x18200] =	vst v63  }
0xbb: {  	s11 =	sld [smem:$0x7FB]  }
0xbc: {  	[tilespmem:s10], [sflag:$0x3] =	stream.indirect_vreg.gather [hbm4b:s1+s3], $0x80, v3, vm0, $0xb8;
	[tilespmem:$0x18200] =	vst v63  }
0xbd: {  	s10 =	sld [smem:$0x7FC]  }
0xbe: {  	[tilespmem:s11], [sflag:$0x3] =	stream.indirect_vreg.gather [hbm4b:s4+s3], $0x80, v3, vm0, $0xb8;
	[tilespmem:$0x18200] =	vst v63  }
0xbf: {  	s11 =	sld [smem:$0x7FD]  }
0xc0: {  	[tilespmem:s10], [sflag:$0x3] =	stream.indirect_vreg.gather [hbm4b:s5+s3], $0x80, v3, vm0, $0xb8;
	[tilespmem:$0x18200] =	vst v63  }
0xc1: {  	_ = 	snop  }
0xc2: {  	[tilespmem:s11], [sflag:$0x3] =	stream.indirect_vreg.gather [hbm4b:s6+s3], $0x80, v3, vm0, $0xb8;
	[tilespmem:$0x18200] =	vst v63  }
0xc3: {  	_ =	swait.ge [sflag:s28], $0x8000  }
0xc4: {  	[sflag:s28] =	ssyncset.done $0x0  }
0xc5: {  	s11 =	rddreg [dreg:$0x8];
	[sflag:s28] =	ssyncadd.s32 $0xFFFF8000  }
0xc6: {  	[hbm4b:s11+s3] =	stream.linear.scatter [tilespmem:s9], [sflag:$0x4], $0x8000, $0x38;
	[tilespmem:$0x18200] =	vst v63  }
0xc7: {  	_ =	swait.ge [sflag:s29], $0x8000  }
0xc8: {  	[sflag:s29] =	ssyncset.done $0x0  }
0xc9: {  	[sflag:s29] =	ssyncadd.s32 $0xFFFF8000  }
0xca: {  	v3 =	vld [tilespmem:$0x180];
	_ =	sdelay $0x4  }
0xcb: {  	v62 =	vshll.u32 v3, $0x3  }
0xcc: {  	v3 =	vand.u32 $0x7, v3;
	v4 =	vand.u32 $0xFFFFFFC0, v62  }
0xcd: {  	v3 =	vor.u32 v3, v4  }
0xce: {  	v4 =	vperm.xlane v3, v0;
	_ =	sdelay $0x1  }
0xcf: {  	v4 =	vadd.s32 v1, v4;
	_ =	sdelay $0x4  }
0xd0: {  	[tilespmem:s9], [sflag:$0x1] =	stream.indirect_vreg.gather [hbm4b:s1+s3], $0x80, v4, vm0, $0xb8;
	[tilespmem:$0x18200] =	vst v63  }
0xd1: {  	v3 =	vperm.xlane v3, v2  }
0xd2: {  	[tilespmem:s12], [sflag:$0x1] =	stream.indirect_vreg.gather [hbm4b:s4+s3], $0x80, v4, vm0, $0xb8;
	[tilespmem:$0x18200] =	vst v63  }
0xd3: {  	v3 =	vadd.s32 v1, v3  }
0xd4: {  	[tilespmem:s13], [sflag:$0x1] =	stream.indirect_vreg.gather [hbm4b:s5+s3], $0x80, v4, vm0, $0xb8;
	[tilespmem:$0x18200] =	vst v63  }
0xd5: {  	_ = 	snop  }
0xd6: {  	[tilespmem:s14], [sflag:$0x1] =	stream.indirect_vreg.gather [hbm4b:s6+s3], $0x80, v4, vm0, $0xb8;
	[tilespmem:$0x18200] =	vst v63  }
0xd7: {  	_ = 	snop  }
0xd8: {  	[tilespmem:s15], [sflag:$0x1] =	stream.indirect_vreg.gather [hbm4b:s1+s3], $0x80, v3, vm0, $0xb8;
	[tilespmem:$0x18200] =	vst v63  }
0xd9: {  	_ = 	snop  }
0xda: {  	[tilespmem:s16], [sflag:$0x1] =	stream.indirect_vreg.gather [hbm4b:s4+s3], $0x80, v3, vm0, $0xb8;
	[tilespmem:$0x18200] =	vst v63  }
0xdb: {  	_ = 	snop  }
0xdc: {  	[tilespmem:s17], [sflag:$0x1] =	stream.indirect_vreg.gather [hbm4b:s5+s3], $0x80, v3, vm0, $0xb8;
	[tilespmem:$0x18200] =	vst v63  }
0xdd: {  	_ = 	snop  }
0xde: {  	[tilespmem:s18], [sflag:$0x1] =	stream.indirect_vreg.gather [hbm4b:s6+s3], $0x80, v3, vm0, $0xb8;
	[tilespmem:$0x18200] =	vst v63  }
0xdf: {  	v3 =	vld [tilespmem:$0x190];
	_ =	sdelay $0x4  }
0xe0: {  	v63 =	vshll.u32 v3, $0x3  }
0xe1: {  	v3 =	vand.u32 $0x7, v3;
	v4 =	vand.u32 $0xFFFFFFC0, v63  }
0xe2: {  	v3 =	vor.u32 v3, v4  }
0xe3: {  	v4 =	vperm.xlane v3, v0;
	_ =	sdelay $0x1  }
0xe4: {  	v4 =	vadd.s32 v1, v4;
	_ =	sdelay $0x4  }
0xe5: {  	[tilespmem:s19], [sflag:$0x1] =	stream.indirect_vreg.gather [hbm4b:s1+s3], $0x80, v4, vm0, $0xb8;
	[tilespmem:$0x18200] =	vst v63  }
0xe6: {  	v3 =	vperm.xlane v3, v2  }
0xe7: {  	[tilespmem:s20], [sflag:$0x1] =	stream.indirect_vreg.gather [hbm4b:s4+s3], $0x80, v4, vm0, $0xb8;
	[tilespmem:$0x18200] =	vst v63  }
0xe8: {  	v3 =	vadd.s32 v1, v3  }
0xe9: {  	[tilespmem:s21], [sflag:$0x1] =	stream.indirect_vreg.gather [hbm4b:s5+s3], $0x80, v4, vm0, $0xb8;
	[tilespmem:$0x18200] =	vst v63  }
0xea: {  	_ = 	snop  }
0xeb: {  	[tilespmem:s22], [sflag:$0x1] =	stream.indirect_vreg.gather [hbm4b:s6+s3], $0x80, v4, vm0, $0xb8;
	[tilespmem:$0x18200] =	vst v63  }
0xec: {  	_ = 	snop  }
0xed: {  	[tilespmem:s23], [sflag:$0x1] =	stream.indirect_vreg.gather [hbm4b:s1+s3], $0x80, v3, vm0, $0xb8;
	[tilespmem:$0x18200] =	vst v63  }
0xee: {  	_ = 	snop  }
0xef: {  	[tilespmem:s24], [sflag:$0x1] =	stream.indirect_vreg.gather [hbm4b:s4+s3], $0x80, v3, vm0, $0xb8;
	[tilespmem:$0x18200] =	vst v63  }
0xf0: {  	_ = 	snop  }
0xf1: {  	[tilespmem:s25], [sflag:$0x1] =	stream.indirect_vreg.gather [hbm4b:s5+s3], $0x80, v3, vm0, $0xb8;
	[tilespmem:$0x18200] =	vst v63  }
0xf2: {  	s11 =	simm.s32 $0x2  }
0xf3: {  	[tilespmem:s26], [sflag:$0x1] =	stream.indirect_vreg.gather [hbm4b:s6+s3], $0x80, v3, vm0, $0xb8;
	[tilespmem:$0x18200] =	vst v63  }
0xf4: {  	_ =	swait.ge [sflag:s11], $0x8000  }
0xf5: {  	[sflag:s11] =	ssyncset.done $0x0  }
0xf6: {  	s10 =	rddreg [dreg:$0x9];
	[sflag:s11] =	ssyncadd.s32 $0xFFFF8000;
	s11 =	simm.s32 $0x3  }
0xf7: {  	[hbm4b:s10+s3] =	stream.linear.scatter [tilespmem:s30], [sflag:$0x5], $0x8000, $0x38;
	[tilespmem:$0x18200] =	vst v63  }
0xf8: {  	_ =	swait.ge [sflag:s11], $0x8000  }
0xf9: {  	[sflag:s11] =	ssyncset.done $0x0  }
0xfa: {  	s10 =	rddreg [dreg:$0xa];
	[sflag:s11] =	ssyncadd.s32 $0xFFFF8000  }
0xfb: {  	[hbm4b:s10+s3] =	stream.linear.scatter [tilespmem:s31], [sflag:$0x6], $0x8000, $0x38;
	[tilespmem:$0x18200] =	vst v63  }
0xfc: {  	_ =	swait.ge [sflag:s28], $0x8000  }
0xfd: {  	[sflag:s28] =	ssyncset.done $0x0  }
0xfe: {  	s11 =	rddreg [dreg:$0xb];
	[sflag:s28] =	ssyncadd.s32 $0xFFFF8000  }
0xff: {  	[hbm4b:s11+s3] =	stream.linear.scatter [tilespmem:s9], [sflag:$0x4], $0x8000, $0x38;
	[tilespmem:$0x18200] =	vst v63  }
0x100: {  	_ =	swait.ge [sflag:s2], $0x8000  }
0x101: {  	[sflag:s2] =	ssyncset.done $0x0  }
0x102: {  	[sflag:s2] =	ssyncadd.s32 $0xFFFF8000  }
0x103: {  	p0 =	sne.s32 s7, $0x1;
	_ =	swait.ge [sflag:s0], $0x8000  }
.Ltmp0:
0x104: {  	[sflag:s0] =	ssyncset.done $0x0;
	(pc) =	sbr.rel @p0 .LBB2_1-.Ltmp0, $4  }
0x105: {  	[sflag:s0] =	ssyncadd.s32 $0xFFFF8000  }
0x106: {  	_ =	swait.ge [sflag:s29], $0x8000  }
0x107: {  	[sflag:s29] =	ssyncset.done $0x0  }
0x108: {  	s7 =	sadd.s32 $0xFFFFFFFF, s7;
	[sflag:s29] =	ssyncadd.s32 $0xFFFF8000  }
0x109: {  	_ =	sfence.sel $0x180000  }
0x10a: {  	[bflag:$0x0] =	sbarrier.arrive $0xFFFF  }
0x10b: {  	_ =	strace $0x90000047  }
0x10c: {  	s0 =	stileid.u32;
	[bflag:$0x2] =	sbarrier.arrive $0xFFFF  }
0x10d: {  	p0 =	sne.s32 s0, $0x0;
	s0 =	rddreg [dreg:$0x3]  }
0x10e: {  	s0 =	sadd.s32 @!p0 $0x100000, s0  }
0x10f: {  	[sflag:s0] =	ssyncadd.tile.s32 @!p0 $0x1;
	_ =	shalt  }
.Lfunc_end2:
_tile_overlayer_lowered:
.L_overlay_start_2:
0x110: {  	(tag) =	ssettag $0x2  }
0x111: {  	s0 =	rddreg [dreg:$0x0];
	s2 =	stileid.u32  }
0x112: {  	s1 =	rddreg [dreg:$0x1];
	p0 =	sne.s32 s2, $0x0  }
0x113: {  	s3 =	rddreg [dreg:$0x2];
	[bflag:$0x3] =	sbarrier.arrive $0xFFFF;
	s2 =	simm.s32 @!p0 $0x1C07  }
0x114: {  	[timem:s3], [sflag:s2] =	dma.local @!p0 [hbm:s0], s1  }
0x115: {  	s0 =	simm.s32 @!p0 $0x7  }
0x116: {  	_ =	swait.ge @!p0 [sflag:s0], s1  }
0x117: {  	s1 =	ssub.s32 @!p0 $0x0, s1;
	[sflag:s0] =	ssyncset.done @!p0 $0x0  }
0x118: {  	[sflag:s0] =	ssyncadd.s32 @!p0 s1  }
0x119: {  	[bflag:$0x3] =	sbarrier.arrive $0xFFFF  }
0x11a: {  	_ =	shalt  }

// kernel: kernel.9.cloned.1.call-start
scs
__scs_entry_jumppad:
0x0: {  	(pc) =	sbr.rel $0x88, $3  }
0x1: {  	(tag) =	ssettag $0x0;
	lr =	simm.s32 $0x1  }
0x2: {  	[smem:$0x3F9B] =	sst lr;
	_ =	strace $0xD0000000  }
0x3: {  	_ = 	snop  }
0x4: {  	_ = 	snop  }
0x5: {  	_ = 	snop  }
0x6: {  	_ = 	snop  }
0x7: {  	_ = 	snop  }
__scs_overlays_trampoline_lowered:
0x8: {  	[smem:$0x3FAA] =	sst s0  }
0x9: {  	[smem:$0x3FAB] =	sst s1  }
0xa: {  	[smem:$0x3FAC] =	sst s2  }
0xb: {  	[smem:$0x3FAD] =	sst s3  }
0xc: {  	[smem:$0x3FAE] =	sst s4  }
0xd: {  	[smem:$0x3FAF] =	sst s5  }
0xe: {  	[smem:$0x3FB0] =	sst s6  }
0xf: {  	[smem:$0x3FB1] =	sst s7  }
0x10: {  	[smem:$0x3FB2] =	sst s8  }
0x11: {  	[smem:$0x3FB3] =	sst s9;
	s0 =	simm.s32 @!p0 $0x0  }
0x12: {  	s1 =	sld [smem:$0x3F99];
	s0 =	simm.s32 @p0 $0x1  }
0x13: {  	[smem:$0x3FB4] =	sst s0;
	s0 =	simm.s32 @!p1 $0x0  }
0x14: {  	s2 =	sld [smem:$0x3F98];
	s0 =	simm.s32 @p1 $0x1  }
0x15: {  	[smem:$0x3FB5] =	sst s0;
	s0 =	simm.s32 @!p2 $0x0  }
0x16: {  	s3 =	sld [smem:$0x3FDB];
	s0 =	simm.s32 @p2 $0x1  }
0x17: {  	s4 =	simm.s32 $0x1BF5;
	[smem:$0x3FB7] =	sst s0  }
0x18: {  	s0 =	sld [smem:$0x3F9A];
	_ =	swait.ge [sflag:s4], $0x0  }
0x19: {  	s7 =	sld [smem:$0x3F9B]  }
0x1a: {  	s8 =	sadd.s32 $0xFFFFE003, lr  }
0x1b: {  	s9 =	sadd.s32 $0xFFFFFEF7, lr;
	s5 =	simm.s32 $0xFFFFFFFF;
	p2 =	slt.u32 s8, $0xFFFFF086  }
0x1c: {  	p1 =	slt.u32 s9, $0xF7A;
	s5 =	simm.s32 @!p2 $0x0  }
0x1d: {  	s5 =	simm.s32 @p1 $0x1;
	p0 =	seq.s32 s7, s2  }
0x1e: {  	s7 =	smul.u32 @!p0 $0xF7A, s2;
	p2 =	seq.s32 @!p0 s5, $0x0  }
0x1f: {  	s9 =	smul.u32 $0xF7A, s1;
	s8 =	simm.s32 @!p0 $0x1BF5;
	p2 =	por !p2, p0  }
0x20: {  	[sflag:s8] =	ssyncset.s32 @!p0 $0xFFFFF086;
	s6 =	sadd.s32 @!p0 s3, s7;
	s7 =	simm.s32 @!p0 $0x108  }
0x21: {  	s3 =	sadd.s32 s3, s9;
	s6 =	sadd.s32 @!p0 $0x88, s6;
	s7 =	simm.s32 @p2 $0x1082  }
0x22: {  	[simem:s7], [sflag:s8] =	dma.local @!p0 [hbm:s6], $0xF7A  }
0x23: {  	s9 =	sor.u32 $0xD0000000, s2;
	s6 =	simm.s32 $0x108;
	_ =	swait.ge @!p0 [sflag:s8], $0x0  }
0x24: {  	s3 =	sadd.s32 $0x88, s3;
	s6 =	simm.s32 @!p1 $0x1082;
	[sflag:s4] =	ssyncset.s32 $0xFFFFF086  }
0x25: {  	[simem:s6], [sflag:s4] =	dma.local [hbm:s3], $0xF7A  }
0x26: {  	[smem:$0x3F9B] =	sst s1;
	(tag) =	ssettag s2;
	_ =	strace s9  }
0x27: {  	s1 =	sld [smem:$0x3FAB]  }
0x28: {  	s2 =	sld [smem:$0x3FAC]  }
0x29: {  	s4 =	sld [smem:$0x3FAE]  }
0x2a: {  	p0 =	seq.s32 s5, $0x0;
	s5 =	sld [smem:$0x3FAF]  }
0x2b: {  	s6 =	sld [smem:$0x3FB0]  }
0x2c: {  	s7 =	sld [smem:$0x3FB1]  }
0x2d: {  	s3 =	simm.s32 $0x108;
	s8 =	sld [smem:$0x3FB2]  }
0x2e: {  	s3 =	simm.s32 @!p0 $0x1082;
	s9 =	sld [smem:$0x3FB3]  }
0x2f: {  	lr =	sadd.s32 s0, s3;
	s0 =	sld [smem:$0x3FAA]  }
0x30: {  	s3 =	sld [smem:$0x3FAD]  }
0x31: {  	[smem:$0x3FB6] =	sst s10  }
0x32: {  	s10 =	sld [smem:$0x3FB4];
	_ =	sdelay $0x3  }
0x33: {  	p0 =	seq.s32 s10, $0x1;
	s10 =	sld [smem:$0x3FB6];
	_ =	sdelay $0x3  }
0x34: {  	[smem:$0x3FB6] =	sst s10  }
0x35: {  	s10 =	sld [smem:$0x3FB5];
	_ =	sdelay $0x3  }
0x36: {  	p1 =	seq.s32 s10, $0x1;
	s10 =	sld [smem:$0x3FB6];
	_ =	sdelay $0x3  }
0x37: {  	[smem:$0x3FB6] =	sst s10  }
0x38: {  	s10 =	sld [smem:$0x3FB7]  }
0x39: {  	_ = 	snop;
	(pc) =	sbr.ind lr, $3  }
0x3a: {  	_ = 	snop  }
0x3b: {  	_ = 	snop  }
0x3c: {  	p2 =	seq.s32 s10, $0x1;
	s10 =	sld [smem:$0x3FB6]  }
0x3d: {  	_ =	shalt  }
0x3e: {  	_ =	shalt  }
0x3f: {  	_ =	shalt  }
0x40: {  	_ =	shalt  }
0x41: {  	_ =	shalt  }
0x42: {  	_ =	shalt  }
0x43: {  	_ =	shalt  }
0x44: {  	_ =	shalt  }
0x45: {  	_ =	shalt  }
0x46: {  	_ =	shalt  }
0x47: {  	_ =	shalt  }
0x48: {  	_ =	shalt  }
0x49: {  	_ =	shalt  }
0x4a: {  	_ =	shalt  }
0x4b: {  	_ =	shalt  }
0x4c: {  	_ =	shalt  }
0x4d: {  	_ =	shalt  }
0x4e: {  	_ =	shalt  }
0x4f: {  	_ =	shalt  }
0x50: {  	_ =	shalt  }
0x51: {  	_ =	shalt  }
0x52: {  	_ =	shalt  }
0x53: {  	_ =	shalt  }
0x54: {  	_ =	shalt  }
0x55: {  	_ =	shalt  }
0x56: {  	_ =	shalt  }
0x57: {  	_ =	shalt  }
0x58: {  	_ =	shalt  }
0x59: {  	_ =	shalt  }
0x5a: {  	_ =	shalt  }
0x5b: {  	_ =	shalt  }
0x5c: {  	_ =	shalt  }
0x5d: {  	_ =	shalt  }
0x5e: {  	_ =	shalt  }
0x5f: {  	_ =	shalt  }
0x60: {  	_ =	shalt  }
0x61: {  	_ =	shalt  }
0x62: {  	_ =	shalt  }
0x63: {  	_ =	shalt  }
0x64: {  	_ =	shalt  }
0x65: {  	_ =	shalt  }
0x66: {  	_ =	shalt  }
0x67: {  	_ =	shalt  }
0x68: {  	_ =	shalt  }
0x69: {  	_ =	shalt  }
0x6a: {  	_ =	shalt  }
0x6b: {  	_ =	shalt  }
0x6c: {  	_ =	shalt  }
0x6d: {  	_ =	shalt  }
0x6e: {  	_ =	shalt  }
0x6f: {  	_ =	shalt  }
0x70: {  	_ =	shalt  }
0x71: {  	_ =	shalt  }
0x72: {  	_ =	shalt  }
0x73: {  	_ =	shalt  }
0x74: {  	_ =	shalt  }
0x75: {  	_ =	shalt  }
0x76: {  	_ =	shalt  }
0x77: {  	_ =	shalt  }
0x78: {  	_ =	shalt  }
0x79: {  	_ =	shalt  }
0x7a: {  	_ =	shalt  }
0x7b: {  	_ =	shalt  }
0x7c: {  	_ =	shalt  }
0x7d: {  	_ =	shalt  }
0x7e: {  	_ =	shalt  }
0x7f: {  	_ =	shalt  }
0x80: {  	_ =	shalt  }
0x81: {  	_ =	shalt  }
0x82: {  	_ =	shalt  }
0x83: {  	_ =	shalt  }
0x84: {  	_ =	shalt  }
0x85: {  	_ =	shalt  }
0x86: {  	_ =	shalt  }
0x87: {  	_ =	shalt  }
.Lfunc_end0:
.L_simem_size_0:
called_computation.1_lowered:
.L_overlay_start_0:
0x88: {  	s2 =	sld [smem:$0x3FD9]  }
0x89: {  	s3 =	sld [smem:$0x3FFE];
	_ =	sdelay $0x1  }
0x8a: {  	s1 =	srdreg.scid  }
0x8b: {  	s0 =	sand.u32 $0x1, s1  }
0x8c: {  	s17 =	sshll.u32 s0, $0xA;
	s2 =	sadd.s32 s3, s2  }
0x8d: {  	s2 =	sadd.s32 s2, s17  }
0x8e: {  	[smem:$0x3FC2] =	sst s2  }
0x8f: {  	_ = 	snop  }
0x90: {  	s18 =	sld [smem:$0x3FC7];
	(tm) =	ssettm $0x1  }
0x91: {  	s19 =	sld [smem:$0x3FFB];
	_ =	sdelay $0x3  }
0x92: {  	_ =	strace s19  }
0x93: {  	s2 =	sld [smem:$0x3FFC];
	_ =	sdelay $0x3  }
0x94: {  	_ =	strace s2  }
0x95: {  	s2 =	sld [smem:$0x3FFD];
	_ =	sdelay $0x3  }
0x96: {  	_ =	strace s2  }
0x97: {  	_ =	strace $0x8FFFFFFF  }
0x98: {  	s20 =	sld [smem:$0x3FDB];
	_ =	sdelay $0x1  }
0x99: {  	s4 =	simm.s32 $_scs_section_size  }
0x9a: {  	s5 =	simm.s32 $_size__tile_overlayer_lowered;
	s6 =	simm.s32 $_tile_overlayer_lowered  }
0x9b: {  	s7 =	simm.s32 $0x1BFF;
	s21 =	sshll.u32 s6, $0x1;
	s4 =	sadd.s32 s4, s20  }
0x9c: {  	s22 =	simm.s32 $0x0;
	s5 =	sshll.u32 s5, $0x1;
	s6 =	sadd.s32 s21, s4  }
0x9d: {  	[timem:s22], [sflag:s7] =	dma.local [hbm:s6], s5  }
0x9e: {  	_ =	swait.ge [sflag:s7], s5  }
0x9f: {  	s5 =	ssub.s32 $0x0, s5;
	[sflag:s7] =	ssyncset.done $0x0  }
0xa0: {  	[sflag:s7] =	ssyncadd.s32 s5;
	_ =	sdelay $0x1  }
0xa1: {  	s23 =	simm.s32 $0x1B8B  }
0xa2: {  	_ =	swait.ge [sflag:s23], $0x1  }
0xa3: {  	[sflag:s23] =	ssyncset.done $0x0  }
0xa4: {  	[sflag:s23] =	ssyncadd.s32 $0xFFFFFFFF  }
0xa5: {  	s5 =	sld [smem:$0x0]  }
0xa6: {  	s6 =	sand.u32 $0xFFFFFFFE, s1  }
0xa7: {  	p0 =	sne.s32 s1, s6  }
0xa8: {  	s6 =	sshll.u32 @p0 s6, $0xE  }
0xa9: {  	s6 =	sadd.s32 @p0 $0x11B8D, s6;
	s7 =	sshll.u32 @p0 s5, $0x11  }
0xaa: {  	s6 =	sor.u32 @p0 s7, s6  }
0xab: {  	[sflag:s6] =	ssyncadd.remote.s32 @p0 $0x1;
	_ =	sdelay $0x1  }
0xac: {  	s6 =	simm.s32 @p0 $0x1B8D  }
0xad: {  	_ =	swait.eq @p0 [sflag:s6], $0x1  }
0xae: {  	[sflag:s6] =	ssyncadd.s32 @p0 $0xFFFFFFFF  }
0xaf: {  	s7 =	sshll.u32 @!p0 s1, $0xE  }
0xb0: {  	s7 =	sor.u32 @!p0 $0x4000, s7;
	s6 =	simm.s32 @!p0 $0x1B8D  }
0xb1: {  	s5 =	sshll.u32 @!p0 s5, $0x11;
	s7 =	sadd.s32 @!p0 $0x11B8D, s7;
	_ =	swait.eq @!p0 [sflag:s6], $0x1  }
0xb2: {  	s5 =	sor.u32 @!p0 s5, s7;
	[sflag:s6] =	ssyncadd.s32 @!p0 $0xFFFFFFFF  }
0xb3: {  	s25 =	simm.s32 $0x1B8E;
	s24 =	sld [smem:$0x3FFE];
	[sflag:s5] =	ssyncadd.remote.s32 @!p0 $0x1  }
0xb4: {  	s26 =	simm.s32 $execute0_lowered;
	[smem:$0x3FD2] =	sst s25  }
0xb5: {  	s6 =	sshll.u32 s26, $0x1;
	_ =	strace $0x80000049;
	[dreg:$0x1] =	wrdreg $0xFFFFFFFF  }
0xb6: {  	s28 =	simm.s32 $_size_execute0_lowered;
	s4 =	sadd.s32 s4, s6;
	[dreg:$0x0] =	wrdreg $0x0  }
0xb7: {  	s6 =	sshll.u32 s28, $0x1;
	[dreg:$0x2] =	wrdreg s4  }
0xb8: {  	[dreg:$0x3] =	wrdreg s6  }
0xb9: {  	[dreg:$0x4] =	wrdreg $0xC0  }
0xba: {  	_ =	task [dreg:s22], $0x5FFFF  }
0xbb: {  	[dreg:$0x1] =	wrdreg $0xFFFFFFFF  }
0xbc: {  	[dreg:$0x0] =	wrdreg $0x60  }
0xbd: {  	[dreg:$0x2] =	wrdreg s18  }
0xbe: {  	[dreg:$0x3] =	wrdreg s24  }
0xbf: {  	[dreg:$0x4] =	wrdreg $0xA  }
0xc0: {  	_ =	task.clear_ibuf [dreg:s22], $0x5FFFF;
	_ =	strace $0x90000049  }
0xc1: {  	s29 =	simm.s32 $0xA;
	_ =	strace $0x8000004B  }
0xc2: {  	_ =	swait.ge [sflag:s29], $0x1  }
0xc3: {  	[sflag:s29] =	ssyncadd.s32 $0xFFFFFFFF  }
0xc4: {  	_ =	strace $0x9000004B  }
0xc5: {  	_ =	sfence  }
0xc6: {  	s30 =	sld [smem:$0x0];
	_ =	sdelay $0x2  }
0xc7: {  	s31 =	sshll.u32 s1, $0xD;
	s1 =	sshrl.u32 s1, $0x2  }
0xc8: {  	s4 =	sand.u32 $0x4000, s31;
	s1 =	sadd.s32 s1, s30  }
0xc9: {  	s0 =	sor.u32 s4, s0;
	s1 =	sshll.u32 s1, $0x11  }
0xca: {  	s0 =	sor.u32 s1, s0  }
0xcb: {  	s0 =	sadd.s32 $0x8F2B, s0  }
0xcc: {  	[sflag:s0] =	ssyncadd.remote.s32 $0x1  }
0xcd: {  	_ =	sfence.sel $0xFFFF  }
0xce: {  	[dreg:$0x0] =	wrdreg $0xFFFFFFFF;
	(pc) =	sbr.abs _section_cstart, $3  }
0xcf: {  	[dreg:$0x1] =	wrdreg $0xFFFFFFFF  }
0xd0: {  	_ =	task.clear_ibuf [dreg:s22], $0x2FFFF;
	_ =	strace $0x9FFFFFFF  }
0xd1: {  	(tm) =	ssettm $0x7FFFFFFF  }
tec
execute0_lowered:
.L_overlay_start_1:
0x0: {  	(tag) =	ssettag $0x1  }
0x1: {  	s0 =	srdreg.scid  }
0x2: {  	s1 =	stileid.u32;
	s0 =	sand.u32 $0x1, s0  }
0x3: {  	s2 =	rddreg [dreg:$0x0];
	s1 =	sshll.u32 s1, $0x8;
	s3 =	sshll.u32 s0, $0x7  }
0x4: {  	s4 =	rddreg [dreg:$0x1];
	s1 =	sor.u32 s3, s1;
	s3 =	simm.s32 $0x0  }
0x5: {  	s15 =	simm.s32 $0x80;
	[smem:$0x7FF] =	sst s3  }
0x6: {  	s16 =	simm.s32 $0x100;
	_ =	strace $0x8000004A;
	[dreg:$0xb] =	wrdreg s15  }
0x7: {  	s17 =	simm.s32 $0x180;
	[dreg:$0xc] =	wrdreg s16  }
0x8: {  	s18 =	simm.s32 $0x8A00;
	[dreg:$0xd] =	wrdreg s17  }
0x9: {  	s19 =	simm.s32 $0x9200;
	[dreg:$0xe] =	wrdreg s18  }
0xa: {  	s20 =	simm.s32 $0x9A00;
	[dreg:$0xf] =	wrdreg s19  }
0xb: {  	s21 =	simm.s32 $0xA200;
	[dreg:$0x10] =	wrdreg s20  }
0xc: {  	s22 =	simm.s32 $0xAA00;
	[dreg:$0x11] =	wrdreg s21  }
0xd: {  	s23 =	simm.s32 $0xB200;
	[dreg:$0x12] =	wrdreg s22  }
0xe: {  	s24 =	simm.s32 $0xBA00;
	[dreg:$0x13] =	wrdreg s23  }
0xf: {  	s26 =	simm.s32 $0xC200;
	[dreg:$0x14] =	wrdreg s24  }
0x10: {  	s7 =	simm.s32 $0xDA00;
	s0 =	ssub.s32 $0x2, s0;
	[dreg:$0x15] =	wrdreg s26  }
0x11: {  	s8 =	simm.s32 $0xE200;
	s25 =	sshrl.u32 s0, $0x1;
	[dreg:$0x18] =	wrdreg s7  }
0x12: {  	s0 =	ssub.s32 s0, s25;
	s25 =	simm.s32 $0x17200;
	[dreg:$0x19] =	wrdreg s8  }
0x13: {  	s15 =	simm.s32 $0x12200;
	[smem:$0x7FC] =	sst s25  }
0x14: {  	s28 =	simm.s32 $0x1;
	s16 =	simm.s32 $0x12A00;
	[smem:$0x7F2] =	sst s15  }
0x15: {  	s29 =	simm.s32 $0x4;
	s17 =	simm.s32 $0x13200;
	[smem:$0x7F3] =	sst s16  }
0x16: {  	s30 =	simm.s32 $0x8200;
	s18 =	simm.s32 $0x13A00;
	[smem:$0x7F4] =	sst s17  }
0x17: {  	s31 =	simm.s32 $0x10200;
	s19 =	simm.s32 $0x14200;
	[smem:$0x7F5] =	sst s18  }
0x18: {  	s5 =	sshrl.u32 s1, $0x3;
	s20 =	simm.s32 $0x14A00;
	[smem:$0x7F6] =	sst s19  }
0x19: {  	s1 =	sshll.u32 s1, $0x7;
	s21 =	simm.s32 $0x15200;
	[smem:$0x7F7] =	sst s20  }
0x1a: {  	s5 =	sadd.s32 s5, s4;
	s22 =	simm.s32 $0x15A00;
	[smem:$0x7F8] =	sst s21  }
0x1b: {  	s1 =	sadd.s32 s1, s4;
	s23 =	simm.s32 $0x16200;
	[smem:$0x7F9] =	sst s22  }
0x1c: {  	s4 =	sadd.s32 $0x100, s2;
	s24 =	simm.s32 $0x16A00;
	[smem:$0x7FA] =	sst s23  }
0x1d: {  	s7 =	smax.u32 s0, $0x1;
	s26 =	simm.s32 $0x17A00;
	[smem:$0x7FB] =	sst s24  }
0x1e: {  	s8 =	simm.s32 $0x7;
	s6 =	sadd.s32 $0x1600, s5;
	[smem:$0x7FD] =	sst s26  }
0x1f: {  	s0 =	simm.s32 $0x6;
	s9 =	sadd.s32 $0x1604, s5;
	[dreg:$0x3] =	wrdreg s6  }
0x20: {  	s25 =	simm.s32 $0x7200;
	s10 =	sadd.s32 $0x1608, s5;
	[dreg:$0x4] =	wrdreg s9  }
0x21: {  	s11 =	sadd.s32 $0x160C, s5;
	s12 =	sadd.s32 $0x1800, s1;
	[dreg:$0x5] =	wrdreg s10  }
0x22: {  	s13 =	sadd.s32 $0x2800, s1;
	s14 =	sadd.s32 $0x3800, s1;
	[dreg:$0x6] =	wrdreg s11  }
0x23: {  	s1 =	sadd.s32 $0x4800, s1;
	s5 =	simm.s32 $0xCA00;
	[dreg:$0x7] =	wrdreg s12  }
0x24: {  	s15 =	simm.s32 $0x2200;
	s16 =	simm.s32 $0x2A00;
	[dreg:$0x8] =	wrdreg s13  }
0x25: {  	s17 =	simm.s32 $0x3200;
	s18 =	simm.s32 $0x3A00;
	[dreg:$0x9] =	wrdreg s14  }
0x26: {  	s19 =	simm.s32 $0x4200;
	s20 =	simm.s32 $0x4A00;
	[dreg:$0xa] =	wrdreg s1  }
0x27: {  	s21 =	simm.s32 $0x5200;
	[dreg:$0x16] =	wrdreg s5;
	s6 =	simm.s32 $0xD200  }
0x28: {  	s22 =	simm.s32 $0x5A00;
	s9 =	simm.s32 $0xEA00;
	[dreg:$0x17] =	wrdreg s6  }
0x29: {  	s23 =	simm.s32 $0x6200;
	s10 =	simm.s32 $0xF200;
	[dreg:$0x1a] =	wrdreg s9  }
0x2a: {  	s24 =	simm.s32 $0x6A00;
	s11 =	simm.s32 $0xFA00;
	[dreg:$0x1b] =	wrdreg s10  }
0x2b: {  	s26 =	simm.s32 $0x7A00;
	s12 =	simm.s32 $0x10A00;
	[dreg:$0x1c] =	wrdreg s11  }
0x2c: {  	s5 =	sadd.s32 $0x200, s2;
	s13 =	simm.s32 $0x11200;
	[dreg:$0x1d] =	wrdreg s12  }
0x2d: {  	v2 =	vlaneseq.u32;
	s14 =	simm.s32 $0x11A00;
	s1 =	simm.s32 $0x5;
	[dreg:$0x1e] =	wrdreg s13  }
0x2e: {  	vm0 =	vmmov $0xffff;
	v1 =	vshrl.u32 v2, $0x3;
	s6 =	sadd.s32 $0x300, s2;
	s9 =	simm.s32 $0x200;
	[dreg:$0x1f] =	wrdreg s14  }
0x2f: {  	v0 =	vand.u32 $0x7, v2;
	v2 =	vor.u32 $0x8, v2;
	v1 =	vmul.u32 $0x8, v1;
	s12 =	simm.s32 $0xA00;
	s13 =	simm.s32 $0x1200;
	s14 =	simm.s32 $0x1A00  }
.LBB2_1:
0x30: {  	s10 =	rddreg [dreg:$0x3]  }
0x31: {  	[tilespmem:s3], [sflag:$0x7] =	stream.linear.gather [hbm4b:s10+s3], $0x20, $0x38;
	[tilespmem:$0x18200] =	vst v63  }
0x32: {  	_ =	swait.ge [sflag:s8], $0x20  }
0x33: {  	s10 =	rddreg [dreg:$0x4];
	[sflag:s8] =	ssyncset.done $0x0  }
0x34: {  	s11 =	rddreg [dreg:$0xb];
	[sflag:s8] =	ssyncadd.s32 $0xFFFFFFE0  }
0x35: {  	[tilespmem:s11], [sflag:$0x7] =	stream.linear.gather [hbm4b:s10+s3], $0x20, $0x38;
	[tilespmem:$0x18200] =	vst v63  }
0x36: {  	_ =	swait.ge [sflag:s8], $0x20  }
0x37: {  	s10 =	rddreg [dreg:$0x5];
	[sflag:s8] =	ssyncset.done $0x0  }
0x38: {  	s11 =	rddreg [dreg:$0xc];
	[sflag:s8] =	ssyncadd.s32 $0xFFFFFFE0  }
0x39: {  	[tilespmem:s11], [sflag:$0x7] =	stream.linear.gather [hbm4b:s10+s3], $0x20, $0x38;
	[tilespmem:$0x18200] =	vst v63  }
0x3a: {  	_ =	swait.ge [sflag:s8], $0x20  }
0x3b: {  	s10 =	rddreg [dreg:$0x6];
	[sflag:s8] =	ssyncset.done $0x0  }
0x3c: {  	s11 =	rddreg [dreg:$0xd];
	[sflag:s8] =	ssyncadd.s32 $0xFFFFFFE0  }
0x3d: {  	[tilespmem:s11], [sflag:$0x7] =	stream.linear.gather [hbm4b:s10+s3], $0x20, $0x38;
	[tilespmem:$0x18200] =	vst v63  }
0x3e: {  	_ =	swait.ge [sflag:s8], $0x20  }
0x3f: {  	[sflag:s8] =	ssyncset.done $0x0  }
0x40: {  	[sflag:s8] =	ssyncadd.s32 $0xFFFFFFE0  }
0x41: {  	v3 =	vld [tilespmem:$0x0];
	_ =	sdelay $0x4  }
0x42: {  	v4 =	vshll.u32 v3, $0x3  }
0x43: {  	v3 =	vand.u32 $0x7, v3;
	v4 =	vand.u32 $0xFFFFFFC0, v4  }
0x44: {  	v3 =	vor.u32 v3, v4  }
0x45: {  	v4 =	vperm.xlane v3, v0;
	_ =	sdelay $0x1  }
0x46: {  	v4 =	vadd.s32 v1, v4;
	_ =	sdelay $0x4  }
0x47: {  	[tilespmem:s9], [sflag:$0x1] =	stream.indirect_vreg.gather [hbm4b:s2+s3], $0x80, v4, vm0, $0xb8;
	[tilespmem:$0x18200] =	vst v63  }
0x48: {  	v3 =	vperm.xlane v3, v2  }
0x49: {  	[tilespmem:s12], [sflag:$0x1] =	stream.indirect_vreg.gather [hbm4b:s4+s3], $0x80, v4, vm0, $0xb8;
	[tilespmem:$0x18200] =	vst v63  }
0x4a: {  	v3 =	vadd.s32 v1, v3  }
0x4b: {  	[tilespmem:s13], [sflag:$0x1] =	stream.indirect_vreg.gather [hbm4b:s5+s3], $0x80, v4, vm0, $0xb8;
	[tilespmem:$0x18200] =	vst v63  }
0x4c: {  	_ = 	snop  }
0x4d: {  	[tilespmem:s14], [sflag:$0x1] =	stream.indirect_vreg.gather [hbm4b:s6+s3], $0x80, v4, vm0, $0xb8;
	[tilespmem:$0x18200] =	vst v63  }
0x4e: {  	_ = 	snop  }
0x4f: {  	[tilespmem:s15], [sflag:$0x1] =	stream.indirect_vreg.gather [hbm4b:s2+s3], $0x80, v3, vm0, $0xb8;
	[tilespmem:$0x18200] =	vst v63  }
0x50: {  	_ = 	snop  }
0x51: {  	[tilespmem:s16], [sflag:$0x1] =	stream.indirect_vreg.gather [hbm4b:s4+s3], $0x80, v3, vm0, $0xb8;
	[tilespmem:$0x18200] =	vst v63  }
0x52: {  	_ = 	snop  }
0x53: {  	[tilespmem:s17], [sflag:$0x1] =	stream.indirect_vreg.gather [hbm4b:s5+s3], $0x80, v3, vm0, $0xb8;
	[tilespmem:$0x18200] =	vst v63  }
0x54: {  	_ = 	snop  }
0x55: {  	[tilespmem:s18], [sflag:$0x1] =	stream.indirect_vreg.gather [hbm4b:s6+s3], $0x80, v3, vm0, $0xb8;
	[tilespmem:$0x18200] =	vst v63  }
0x56: {  	v3 =	vld [tilespmem:$0x10];
	_ =	sdelay $0x4  }
0x57: {  	v57 =	vshll.u32 v3, $0x3  }
0x58: {  	v3 =	vand.u32 $0x7, v3;
	v4 =	vand.u32 $0xFFFFFFC0, v57  }
0x59: {  	v3 =	vor.u32 v3, v4  }
0x5a: {  	v4 =	vperm.xlane v3, v0;
	_ =	sdelay $0x1  }
0x5b: {  	v4 =	vadd.s32 v1, v4;
	_ =	sdelay $0x4  }
0x5c: {  	[tilespmem:s19], [sflag:$0x1] =	stream.indirect_vreg.gather [hbm4b:s2+s3], $0x80, v4, vm0, $0xb8;
	[tilespmem:$0x18200] =	vst v63  }
0x5d: {  	v3 =	vperm.xlane v3, v2  }
0x5e: {  	[tilespmem:s20], [sflag:$0x1] =	stream.indirect_vreg.gather [hbm4b:s4+s3], $0x80, v4, vm0, $0xb8;
	[tilespmem:$0x18200] =	vst v63  }
0x5f: {  	v3 =	vadd.s32 v1, v3  }
0x60: {  	[tilespmem:s21], [sflag:$0x1] =	stream.indirect_vreg.gather [hbm4b:s5+s3], $0x80, v4, vm0, $0xb8;
	[tilespmem:$0x18200] =	vst v63  }
0x61: {  	_ = 	snop  }
0x62: {  	[tilespmem:s22], [sflag:$0x1] =	stream.indirect_vreg.gather [hbm4b:s6+s3], $0x80, v4, vm0, $0xb8;
	[tilespmem:$0x18200] =	vst v63  }
0x63: {  	_ = 	snop  }
0x64: {  	[tilespmem:s23], [sflag:$0x1] =	stream.indirect_vreg.gather [hbm4b:s2+s3], $0x80, v3, vm0, $0xb8;
	[tilespmem:$0x18200] =	vst v63  }
0x65: {  	_ = 	snop  }
0x66: {  	[tilespmem:s24], [sflag:$0x1] =	stream.indirect_vreg.gather [hbm4b:s4+s3], $0x80, v3, vm0, $0xb8;
	[tilespmem:$0x18200] =	vst v63  }
0x67: {  	_ = 	snop  }
0x68: {  	[tilespmem:s25], [sflag:$0x1] =	stream.indirect_vreg.gather [hbm4b:s5+s3], $0x80, v3, vm0, $0xb8;
	[tilespmem:$0x18200] =	vst v63  }
0x69: {  	_ = 	snop  }
0x6a: {  	[tilespmem:s26], [sflag:$0x1] =	stream.indirect_vreg.gather [hbm4b:s6+s3], $0x80, v3, vm0, $0xb8;
	[tilespmem:$0x18200] =	vst v63  }
0x6b: {  	v3 =	vld [tilespmem:$0x80];
	_ =	sdelay $0x4  }
0x6c: {  	v58 =	vshll.u32 v3, $0x3  }
0x6d: {  	v3 =	vand.u32 $0x7, v3;
	v4 =	vand.u32 $0xFFFFFFC0, v58  }
0x6e: {  	v3 =	vor.u32 v3, v4  }
0x6f: {  	v4 =	vperm.xlane v3, v0;
	_ =	sdelay $0x1  }
0x70: {  	v4 =	vadd.s32 v1, v4;
	_ =	sdelay $0x4  }
0x71: {  	[tilespmem:s30], [sflag:$0x2] =	stream.indirect_vreg.gather [hbm4b:s2+s3], $0x80, v4, vm0, $0xb8;
	[tilespmem:$0x18200] =	vst v63  }
0x72: {  	s10 =	rddreg [dreg:$0xe];
	v3 =	vperm.xlane v3, v2  }
0x73: {  	[tilespmem:s10], [sflag:$0x2] =	stream.indirect_vreg.gather [hbm4b:s4+s3], $0x80, v4, vm0, $0xb8;
	[tilespmem:$0x18200] =	vst v63  }
0x74: {  	s11 =	rddreg [dreg:$0xf];
	v3 =	vadd.s32 v1, v3  }
0x75: {  	[tilespmem:s11], [sflag:$0x2] =	stream.indirect_vreg.gather [hbm4b:s5+s3], $0x80, v4, vm0, $0xb8;
	[tilespmem:$0x18200] =	vst v63  }
0x76: {  	s10 =	rddreg [dreg:$0x10]  }
0x77: {  	[tilespmem:s10], [sflag:$0x2] =	stream.indirect_vreg.gather [hbm4b:s6+s3], $0x80, v4, vm0, $0xb8;
	[tilespmem:$0x18200] =	vst v63  }
0x78: {  	s11 =	rddreg [dreg:$0x11]  }
0x79: {  	[tilespmem:s11], [sflag:$0x2] =	stream.indirect_vreg.gather [hbm4b:s2+s3], $0x80, v3, vm0, $0xb8;
	[tilespmem:$0x18200] =	vst v63  }
0x7a: {  	s10 =	rddreg [dreg:$0x12]  }
0x7b: {  	[tilespmem:s10], [sflag:$0x2] =	stream.indirect_vreg.gather [hbm4b:s4+s3], $0x80, v3, vm0, $0xb8;
	[tilespmem:$0x18200] =	vst v63  }
0x7c: {  	s11 =	rddreg [dreg:$0x13]  }
0x7d: {  	[tilespmem:s11], [sflag:$0x2] =	stream.indirect_vreg.gather [hbm4b:s5+s3], $0x80, v3, vm0, $0xb8;
	[tilespmem:$0x18200] =	vst v63  }
0x7e: {  	s10 =	rddreg [dreg:$0x14]  }
0x7f: {  	[tilespmem:s10], [sflag:$0x2] =	stream.indirect_vreg.gather [hbm4b:s6+s3], $0x80, v3, vm0, $0xb8;
	[tilespmem:$0x18200] =	vst v63  }
0x80: {  	v3 =	vld [tilespmem:$0x90];
	_ =	sdelay $0x4  }
0x81: {  	v59 =	vshll.u32 v3, $0x3  }
0x82: {  	v3 =	vand.u32 $0x7, v3;
	v4 =	vand.u32 $0xFFFFFFC0, v59  }
0x83: {  	v3 =	vor.u32 v3, v4  }
0x84: {  	v4 =	vperm.xlane v3, v0;
	_ =	sdelay $0x1  }
0x85: {  	v4 =	vadd.s32 v1, v4;
	_ =	sdelay $0x3  }
0x86: {  	s10 =	rddreg [dreg:$0x15]  }
0x87: {  	[tilespmem:s10], [sflag:$0x2] =	stream.indirect_vreg.gather [hbm4b:s2+s3], $0x80, v4, vm0, $0xb8;
	[tilespmem:$0x18200] =	vst v63  }
0x88: {  	s11 =	rddreg [dreg:$0x16];
	v3 =	vperm.xlane v3, v2  }
0x89: {  	[tilespmem:s11], [sflag:$0x2] =	stream.indirect_vreg.gather [hbm4b:s4+s3], $0x80, v4, vm0, $0xb8;
	[tilespmem:$0x18200] =	vst v63  }
0x8a: {  	v3 =	vadd.s32 v1, v3;
	s10 =	rddreg [dreg:$0x17]  }
0x8b: {  	[tilespmem:s10], [sflag:$0x2] =	stream.indirect_vreg.gather [hbm4b:s5+s3], $0x80, v4, vm0, $0xb8;
	[tilespmem:$0x18200] =	vst v63  }
0x8c: {  	s11 =	rddreg [dreg:$0x18]  }
0x8d: {  	[tilespmem:s11], [sflag:$0x2] =	stream.indirect_vreg.gather [hbm4b:s6+s3], $0x80, v4, vm0, $0xb8;
	[tilespmem:$0x18200] =	vst v63  }
0x8e: {  	s10 =	rddreg [dreg:$0x19]  }
0x8f: {  	[tilespmem:s10], [sflag:$0x2] =	stream.indirect_vreg.gather [hbm4b:s2+s3], $0x80, v3, vm0, $0xb8;
	[tilespmem:$0x18200] =	vst v63  }
0x90: {  	s11 =	rddreg [dreg:$0x1a]  }
0x91: {  	[tilespmem:s11], [sflag:$0x2] =	stream.indirect_vreg.gather [hbm4b:s4+s3], $0x80, v3, vm0, $0xb8;
	[tilespmem:$0x18200] =	vst v63  }
0x92: {  	s10 =	rddreg [dreg:$0x1b]  }
0x93: {  	[tilespmem:s10], [sflag:$0x2] =	stream.indirect_vreg.gather [hbm4b:s5+s3], $0x80, v3, vm0, $0xb8;
	[tilespmem:$0x18200] =	vst v63  }
0x94: {  	s11 =	rddreg [dreg:$0x1c]  }
0x95: {  	[tilespmem:s11], [sflag:$0x2] =	stream.indirect_vreg.gather [hbm4b:s6+s3], $0x80, v3, vm0, $0xb8;
	[tilespmem:$0x18200] =	vst v63  }
0x96: {  	v3 =	vld [tilespmem:$0x100];
	_ =	sdelay $0x4  }
0x97: {  	v60 =	vshll.u32 v3, $0x3  }
0x98: {  	v3 =	vand.u32 $0x7, v3;
	v4 =	vand.u32 $0xFFFFFFC0, v60  }
0x99: {  	v3 =	vor.u32 v3, v4  }
0x9a: {  	v4 =	vperm.xlane v3, v0;
	_ =	sdelay $0x1  }
0x9b: {  	v4 =	vadd.s32 v1, v4;
	_ =	sdelay $0x3  }
0x9c: {  	s10 =	rddreg [dreg:$0x1d]  }
0x9d: {  	[tilespmem:s31], [sflag:$0x3] =	stream.indirect_vreg.gather [hbm4b:s2+s3], $0x80, v4, vm0, $0xb8;
	[tilespmem:$0x18200] =	vst v63  }
0x9e: {  	s11 =	rddreg [dreg:$0x1e];
	v3 =	vperm.xlane v3, v2  }
0x9f: {  	[tilespmem:s10], [sflag:$0x3] =	stream.indirect_vreg.gather [hbm4b:s4+s3], $0x80, v4, vm0, $0xb8;
	[tilespmem:$0x18200] =	vst v63  }
0xa0: {  	v3 =	vadd.s32 v1, v3;
	s10 =	rddreg [dreg:$0x1f]  }
0xa1: {  	[tilespmem:s11], [sflag:$0x3] =	stream.indirect_vreg.gather [hbm4b:s5+s3], $0x80, v4, vm0, $0xb8;
	[tilespmem:$0x18200] =	vst v63  }
0xa2: {  	s11 =	sld [smem:$0x7F2]  }
0xa3: {  	[tilespmem:s10], [sflag:$0x3] =	stream.indirect_vreg.gather [hbm4b:s6+s3], $0x80, v4, vm0, $0xb8;
	[tilespmem:$0x18200] =	vst v63  }
0xa4: {  	s10 =	sld [smem:$0x7F3]  }
0xa5: {  	[tilespmem:s11], [sflag:$0x3] =	stream.indirect_vreg.gather [hbm4b:s2+s3], $0x80, v3, vm0, $0xb8;
	[tilespmem:$0x18200] =	vst v63  }
0xa6: {  	s11 =	sld [smem:$0x7F4]  }
0xa7: {  	[tilespmem:s10], [sflag:$0x3] =	stream.indirect_vreg.gather [hbm4b:s4+s3], $0x80, v3, vm0, $0xb8;
	[tilespmem:$0x18200] =	vst v63  }
0xa8: {  	s10 =	sld [smem:$0x7F5]  }
0xa9: {  	[tilespmem:s11], [sflag:$0x3] =	stream.indirect_vreg.gather [hbm4b:s5+s3], $0x80, v3, vm0, $0xb8;
	[tilespmem:$0x18200] =	vst v63  }
0xaa: {  	_ = 	snop  }
0xab: {  	[tilespmem:s10], [sflag:$0x3] =	stream.indirect_vreg.gather [hbm4b:s6+s3], $0x80, v3, vm0, $0xb8;
	[tilespmem:$0x18200] =	vst v63  }
0xac: {  	v3 =	vld [tilespmem:$0x110];
	_ =	sdelay $0x4  }
0xad: {  	v61 =	vshll.u32 v3, $0x3  }
0xae: {  	v3 =	vand.u32 $0x7, v3;
	v4 =	vand.u32 $0xFFFFFFC0, v61  }
0xaf: {  	v3 =	vor.u32 v3, v4  }
0xb0: {  	v4 =	vperm.xlane v3, v0;
	_ =	sdelay $0x1  }
0xb1: {  	v4 =	vadd.s32 v1, v4;
	_ =	sdelay $0x1  }
0xb2: {  	s10 =	sld [smem:$0x7F6];
	_ =	sdelay $0x1  }
0xb3: {  	s11 =	sld [smem:$0x7F7]  }
0xb4: {  	[tilespmem:s10], [sflag:$0x3] =	stream.indirect_vreg.gather [hbm4b:s2+s3], $0x80, v4, vm0, $0xb8;
	[tilespmem:$0x18200] =	vst v63  }
0xb5: {  	v3 =	vperm.xlane v3, v2;
	s10 =	sld [smem:$0x7F8]  }
0xb6: {  	[tilespmem:s11], [sflag:$0x3] =	stream.indirect_vreg.gather [hbm4b:s4+s3], $0x80, v4, vm0, $0xb8;
	[tilespmem:$0x18200] =	vst v63  }
0xb7: {  	v3 =	vadd.s32 v1, v3;
	s11 =	sld [smem:$0x7F9]  }
0xb8: {  	[tilespmem:s10], [sflag:$0x3] =	stream.indirect_vreg.gather [hbm4b:s5+s3], $0x80, v4, vm0, $0xb8;
	[tilespmem:$0x18200] =	vst v63  }
0xb9: {  	s10 =	sld [smem:$0x7FA]  }
0xba: {  	[tilespmem:s11], [sflag:$0x3] =	stream.indirect_vreg.gather [hbm4b:s6+s3], $0x80, v4, vm0, $0xb8;
	[tilespmem:$0x18200] =	vst v63  }
0xbb: {  	s11 =	sld [smem:$0x7FB]  }
0xbc: {  	[tilespmem:s10], [sflag:$0x3] =	stream.indirect_vreg.gather [hbm4b:s2+s3], $0x80, v3, vm0, $0xb8;
	[tilespmem:$0x18200] =	vst v63  }
0xbd: {  	s10 =	sld [smem:$0x7FC]  }
0xbe: {  	[tilespmem:s11], [sflag:$0x3] =	stream.indirect_vreg.gather [hbm4b:s4+s3], $0x80, v3, vm0, $0xb8;
	[tilespmem:$0x18200] =	vst v63  }
0xbf: {  	s11 =	sld [smem:$0x7FD]  }
0xc0: {  	[tilespmem:s10], [sflag:$0x3] =	stream.indirect_vreg.gather [hbm4b:s5+s3], $0x80, v3, vm0, $0xb8;
	[tilespmem:$0x18200] =	vst v63  }
0xc1: {  	_ = 	snop  }
0xc2: {  	[tilespmem:s11], [sflag:$0x3] =	stream.indirect_vreg.gather [hbm4b:s6+s3], $0x80, v3, vm0, $0xb8;
	[tilespmem:$0x18200] =	vst v63  }
0xc3: {  	_ =	swait.ge [sflag:s28], $0x8000  }
0xc4: {  	[sflag:s28] =	ssyncset.done $0x0  }
0xc5: {  	s11 =	rddreg [dreg:$0x7];
	[sflag:s28] =	ssyncadd.s32 $0xFFFF8000  }
0xc6: {  	[hbm4b:s11+s3] =	stream.linear.scatter [tilespmem:s9], [sflag:$0x4], $0x8000, $0x38;
	[tilespmem:$0x18200] =	vst v63  }
0xc7: {  	_ =	swait.ge [sflag:s29], $0x8000  }
0xc8: {  	[sflag:s29] =	ssyncset.done $0x0  }
0xc9: {  	[sflag:s29] =	ssyncadd.s32 $0xFFFF8000  }
0xca: {  	v3 =	vld [tilespmem:$0x180];
	_ =	sdelay $0x4  }
0xcb: {  	v62 =	vshll.u32 v3, $0x3  }
0xcc: {  	v3 =	vand.u32 $0x7, v3;
	v4 =	vand.u32 $0xFFFFFFC0, v62  }
0xcd: {  	v3 =	vor.u32 v3, v4  }
0xce: {  	v4 =	vperm.xlane v3, v0;
	_ =	sdelay $0x1  }
0xcf: {  	v4 =	vadd.s32 v1, v4;
	_ =	sdelay $0x4  }
0xd0: {  	[tilespmem:s9], [sflag:$0x1] =	stream.indirect_vreg.gather [hbm4b:s2+s3], $0x80, v4, vm0, $0xb8;
	[tilespmem:$0x18200] =	vst v63  }
0xd1: {  	v3 =	vperm.xlane v3, v2  }
0xd2: {  	[tilespmem:s12], [sflag:$0x1] =	stream.indirect_vreg.gather [hbm4b:s4+s3], $0x80, v4, vm0, $0xb8;
	[tilespmem:$0x18200] =	vst v63  }
0xd3: {  	v3 =	vadd.s32 v1, v3  }
0xd4: {  	[tilespmem:s13], [sflag:$0x1] =	stream.indirect_vreg.gather [hbm4b:s5+s3], $0x80, v4, vm0, $0xb8;
	[tilespmem:$0x18200] =	vst v63  }
0xd5: {  	_ = 	snop  }
0xd6: {  	[tilespmem:s14], [sflag:$0x1] =	stream.indirect_vreg.gather [hbm4b:s6+s3], $0x80, v4, vm0, $0xb8;
	[tilespmem:$0x18200] =	vst v63  }
0xd7: {  	_ = 	snop  }
0xd8: {  	[tilespmem:s15], [sflag:$0x1] =	stream.indirect_vreg.gather [hbm4b:s2+s3], $0x80, v3, vm0, $0xb8;
	[tilespmem:$0x18200] =	vst v63  }
0xd9: {  	_ = 	snop  }
0xda: {  	[tilespmem:s16], [sflag:$0x1] =	stream.indirect_vreg.gather [hbm4b:s4+s3], $0x80, v3, vm0, $0xb8;
	[tilespmem:$0x18200] =	vst v63  }
0xdb: {  	_ = 	snop  }
0xdc: {  	[tilespmem:s17], [sflag:$0x1] =	stream.indirect_vreg.gather [hbm4b:s5+s3], $0x80, v3, vm0, $0xb8;
	[tilespmem:$0x18200] =	vst v63  }
0xdd: {  	_ = 	snop  }
0xde: {  	[tilespmem:s18], [sflag:$0x1] =	stream.indirect_vreg.gather [hbm4b:s6+s3], $0x80, v3, vm0, $0xb8;
	[tilespmem:$0x18200] =	vst v63  }
0xdf: {  	v3 =	vld [tilespmem:$0x190];
	_ =	sdelay $0x4  }
0xe0: {  	v63 =	vshll.u32 v3, $0x3  }
0xe1: {  	v3 =	vand.u32 $0x7, v3;
	v4 =	vand.u32 $0xFFFFFFC0, v63  }
0xe2: {  	v3 =	vor.u32 v3, v4  }
0xe3: {  	v4 =	vperm.xlane v3, v0;
	_ =	sdelay $0x1  }
0xe4: {  	v4 =	vadd.s32 v1, v4;
	_ =	sdelay $0x4  }
0xe5: {  	[tilespmem:s19], [sflag:$0x1] =	stream.indirect_vreg.gather [hbm4b:s2+s3], $0x80, v4, vm0, $0xb8;
	[tilespmem:$0x18200] =	vst v63  }
0xe6: {  	v3 =	vperm.xlane v3, v2  }
0xe7: {  	[tilespmem:s20], [sflag:$0x1] =	stream.indirect_vreg.gather [hbm4b:s4+s3], $0x80, v4, vm0, $0xb8;
	[tilespmem:$0x18200] =	vst v63  }
0xe8: {  	v3 =	vadd.s32 v1, v3  }
0xe9: {  	[tilespmem:s21], [sflag:$0x1] =	stream.indirect_vreg.gather [hbm4b:s5+s3], $0x80, v4, vm0, $0xb8;
	[tilespmem:$0x18200] =	vst v63  }
0xea: {  	_ = 	snop  }
0xeb: {  	[tilespmem:s22], [sflag:$0x1] =	stream.indirect_vreg.gather [hbm4b:s6+s3], $0x80, v4, vm0, $0xb8;
	[tilespmem:$0x18200] =	vst v63  }
0xec: {  	_ = 	snop  }
0xed: {  	[tilespmem:s23], [sflag:$0x1] =	stream.indirect_vreg.gather [hbm4b:s2+s3], $0x80, v3, vm0, $0xb8;
	[tilespmem:$0x18200] =	vst v63  }
0xee: {  	_ = 	snop  }
0xef: {  	[tilespmem:s24], [sflag:$0x1] =	stream.indirect_vreg.gather [hbm4b:s4+s3], $0x80, v3, vm0, $0xb8;
	[tilespmem:$0x18200] =	vst v63  }
0xf0: {  	_ = 	snop  }
0xf1: {  	[tilespmem:s25], [sflag:$0x1] =	stream.indirect_vreg.gather [hbm4b:s5+s3], $0x80, v3, vm0, $0xb8;
	[tilespmem:$0x18200] =	vst v63  }
0xf2: {  	s11 =	simm.s32 $0x2  }
0xf3: {  	[tilespmem:s26], [sflag:$0x1] =	stream.indirect_vreg.gather [hbm4b:s6+s3], $0x80, v3, vm0, $0xb8;
	[tilespmem:$0x18200] =	vst v63  }
0xf4: {  	_ =	swait.ge [sflag:s11], $0x8000  }
0xf5: {  	[sflag:s11] =	ssyncset.done $0x0  }
0xf6: {  	s10 =	rddreg [dreg:$0x8];
	[sflag:s11] =	ssyncadd.s32 $0xFFFF8000;
	s11 =	simm.s32 $0x3  }
0xf7: {  	[hbm4b:s10+s3] =	stream.linear.scatter [tilespmem:s30], [sflag:$0x5], $0x8000, $0x38;
	[tilespmem:$0x18200] =	vst v63  }
0xf8: {  	_ =	swait.ge [sflag:s11], $0x8000  }
0xf9: {  	[sflag:s11] =	ssyncset.done $0x0  }
0xfa: {  	s10 =	rddreg [dreg:$0x9];
	[sflag:s11] =	ssyncadd.s32 $0xFFFF8000  }
0xfb: {  	[hbm4b:s10+s3] =	stream.linear.scatter [tilespmem:s31], [sflag:$0x6], $0x8000, $0x38;
	[tilespmem:$0x18200] =	vst v63  }
0xfc: {  	_ =	swait.ge [sflag:s28], $0x8000  }
0xfd: {  	[sflag:s28] =	ssyncset.done $0x0  }
0xfe: {  	s11 =	rddreg [dreg:$0xa];
	[sflag:s28] =	ssyncadd.s32 $0xFFFF8000  }
0xff: {  	[hbm4b:s11+s3] =	stream.linear.scatter [tilespmem:s9], [sflag:$0x4], $0x8000, $0x38;
	[tilespmem:$0x18200] =	vst v63  }
0x100: {  	_ =	swait.ge [sflag:s1], $0x8000  }
0x101: {  	[sflag:s1] =	ssyncset.done $0x0  }
0x102: {  	[sflag:s1] =	ssyncadd.s32 $0xFFFF8000  }
0x103: {  	p0 =	sne.s32 s7, $0x1;
	_ =	swait.ge [sflag:s0], $0x8000  }
.Ltmp0:
0x104: {  	[sflag:s0] =	ssyncset.done $0x0;
	(pc) =	sbr.rel @p0 .LBB2_1-.Ltmp0, $4  }
0x105: {  	[sflag:s0] =	ssyncadd.s32 $0xFFFF8000  }
0x106: {  	_ =	swait.ge [sflag:s29], $0x8000  }
0x107: {  	[sflag:s29] =	ssyncset.done $0x0  }
0x108: {  	s7 =	sadd.s32 $0xFFFFFFFF, s7;
	[sflag:s29] =	ssyncadd.s32 $0xFFFF8000  }
0x109: {  	_ =	sfence.sel $0x180000  }
0x10a: {  	[bflag:$0x0] =	sbarrier.arrive $0xFFFF  }
0x10b: {  	_ =	strace $0x9000004A  }
0x10c: {  	s0 =	stileid.u32;
	[bflag:$0x2] =	sbarrier.arrive $0xFFFF  }
0x10d: {  	p0 =	sne.s32 s0, $0x0;
	s0 =	rddreg [dreg:$0x2]  }
0x10e: {  	s0 =	sadd.s32 @!p0 $0x100000, s0  }
0x10f: {  	[sflag:s0] =	ssyncadd.tile.s32 @!p0 $0x1;
	_ =	shalt  }
.Lfunc_end2:
_tile_overlayer_lowered:
.L_overlay_start_2:
0x110: {  	(tag) =	ssettag $0x2  }
0x111: {  	s0 =	rddreg [dreg:$0x0];
	s2 =	stileid.u32  }
0x112: {  	s1 =	rddreg [dreg:$0x1];
	p0 =	sne.s32 s2, $0x0  }
0x113: {  	s3 =	rddreg [dreg:$0x2];
	[bflag:$0x3] =	sbarrier.arrive $0xFFFF;
	s2 =	simm.s32 @!p0 $0x1C07  }
0x114: {  	[timem:s3], [sflag:s2] =	dma.local @!p0 [hbm:s0], s1  }
0x115: {  	s0 =	simm.s32 @!p0 $0x7  }
0x116: {  	_ =	swait.ge @!p0 [sflag:s0], s1  }
0x117: {  	s1 =	ssub.s32 @!p0 $0x0, s1;
	[sflag:s0] =	ssyncset.done @!p0 $0x0  }
0x118: {  	[sflag:s0] =	ssyncadd.s32 @!p0 s1  }
0x119: {  	[bflag:$0x3] =	sbarrier.arrive $0xFFFF  }
0x11a: {  	_ =	shalt  }

</sc_bundles>
